<compile_context>
chip_gen: v7x
topology: tpu7x:2x2x1
jax: 0.10.2.dev20260603
libtpu: 0.0.44.dev20260713+nightly
codegen_flags: <defaults>
</compile_context>

<pallas_src>
import functools

import jax
import jax.numpy as jnp
from jax import lax
from jax.experimental import pallas as pl
from jax.experimental.pallas import tpu as pltpu
from jax.experimental.pallas import tpu_sc as plsc

VOCAB = 201
HIDDEN = 1024
OUT = 41
BATCH = 4
SEQ = 4096
B_TOK = BATCH * SEQ

_NC, _NS = 2, 16
_NW = _NC * _NS
_BPW = B_TOK // _NW
_WPB = SEQ // _BPW
_NJ = _BPW // 128


def _proj_body(emb_ref, w_ref, b_ref, p_ref):
    p_ref[...] = (
        lax.dot_general(
            emb_ref[...], w_ref[...],
            (((1,), (1,)), ((), ())),
            preferred_element_type=jnp.float32,
        )
        + b_ref[...]
    )


def _project_table(emb_table, W, b2d):
    return pl.pallas_call(
        _proj_body,
        out_shape=jax.ShapeDtypeStruct((VOCAB, OUT), jnp.float32),
    )(emb_table, W, b2d)


@functools.cache
def _make_sc_gather():
    mesh = plsc.VectorSubcoreMesh(core_axis_name="c", subcore_axis_name="s")

    @functools.partial(
        pl.kernel,
        out_type=jax.ShapeDtypeStruct((OUT, BATCH * 32, 128), jnp.float32),
        mesh=mesh,
        scratch_types=[
            pltpu.VMEM((VOCAB * OUT,), jnp.float32),
            pltpu.VMEM((_BPW,), jnp.int32),
            pltpu.VMEM((_NJ, OUT, 1, 128), jnp.float32),
            pltpu.SemaphoreType.DMA,
        ],
        compiler_params=pltpu.CompilerParams(needs_layout_passes=False),
    )
    def _sc_gather(table_hbm, idx_hbm, out_hbm, table_v, idx_v, rows_v, sem):
        wid = lax.axis_index("s") * _NC + lax.axis_index("c")
        bi = wid // _WPB
        si = wid % _WPB
        pltpu.sync_copy(table_hbm, table_v)
        pltpu.sync_copy(idx_hbm.at[bi, pl.ds(si * _BPW, _BPW)], idx_v)

        @plsc.parallel_loop(0, _BPW // 16, 1, unroll=2)
        def _(g):
            base = pl.multiple_of(g * 16, 16)
            j = g // 8
            sl = (g % 8) * 16
            rbase = idx_v[pl.ds(base, 16)] * OUT
            for c in range(OUT):
                vals = plsc.load_gather(table_v, [rbase + c])
                rows_v[j, c, 0, pl.ds(sl, 16)] = vals

        copies = []
        for j in range(_NJ):
            row = si * (_NJ * BATCH) + j * BATCH + bi
            copies.append(
                pltpu.async_copy(
                    rows_v.at[j], out_hbm.at[:, pl.ds(row, 1), :], sem))
        for cpy in copies:
            cpy.wait()

    return _sc_gather


def kernel(x, emb_table, W, b):
    table = _project_table(emb_table, W, b.reshape(1, OUT))
    out3 = _make_sc_gather()(table.reshape(VOCAB * OUT), x)
    return (
        out3.reshape(OUT, 32, BATCH, 128)
        .transpose(2, 1, 3, 0)
        .reshape(BATCH, SEQ, OUT)
    )

# --- scband reference (transcript-rebuilt; emitter-appended) ---
"""Pipeline reference for scband-simple-seq2-seq-model-61186104099063 (READ-ONLY COPY).

The authoritative reference and input builder live on the scoring server;
editing this copy changes nothing except your own understanding.
"""

import jax, jax.numpy as jnp
import numpy as np

INPUT_SIZE = 200
OUTPUT_SIZE = 39
HIDDEN = 1024

def setup_inputs(seed: int = 0) -> dict:
    key = jax.random.key(seed)
    k1, k2, k3, k4 = jax.random.split(key, 4)
    x = jax.random.randint(k1, (4, 4096), 0, INPUT_SIZE + 1, dtype=jnp.int64 if jax.config.jax_enable_x64 else jnp.int32).astype(jnp.int32)
    emb_table = jax.random.normal(k2, (INPUT_SIZE + 1, HIDDEN), dtype=jnp.float32) * (1.0)
    # nn.Linear default init: U(-1/sqrt(fan_in), 1/sqrt(fan_in))
    bound = 1.0 / np.sqrt(HIDDEN)
    W = jax.random.uniform(k3, (OUTPUT_SIZE + 2, HIDDEN), dtype=jnp.float32, minval=-bound, maxval=bound)
    b = jax.random.uniform(k4, (OUTPUT_SIZE + 2,), dtype=jnp.float32, minval=-bound, maxval=bound)
    return {"x": x, "emb_table": emb_table, "W": W, "b": b}

def reference(x, emb_table, W, b):
    # x: int[B, S] -> embedding gather -> linear
    h = jnp.take(emb_table, x, axis=0)          # [B, S, HIDDEN]
    out = jnp.einsum('bsh,oh->bso', h, W) + b   # [B, S, OUTPUT_SIZE+2]
    return out

if __name__ == "__main__":
    import jax
    _d = setup_inputs()
    print(jax.jit(kernel)(*tuple(_d.values())))

</pallas_src>

<mosaic_0001>
#map = affine_map<(d0, d1) -> (0)>
#map1 = affine_map<(d0, d1) -> (0, 0)>
#map2 = affine_map<(d0, d1) -> (0, 0, 0)>
module attributes {stable_mosaic.version = 14 : i64} {
  func.func @_sc_gather(%arg0: i32, %arg1: i32, %arg2: memref<8241xf32, #tpu.memory_space<hbm>>, %arg3: memref<4x4096xi32, #tpu.memory_space<hbm>>, %arg4: memref<41x128x128xf32, #tpu.memory_space<hbm>>, %arg5: memref<8241xf32, #tpu.memory_space<vmem>>, %arg6: memref<512xi32, #tpu.memory_space<vmem>>, %arg7: memref<4x41x1x128xf32, #tpu.memory_space<vmem>>, %arg8: memref<!tpu.dma_semaphore, #tpu.memory_space<semaphore_mem>>) attributes {dimension_semantics = [#tpu.dimension_semantics<core_parallel>, #tpu.dimension_semantics<subcore_parallel>], iteration_bounds = array<i64: 2, 16>, scalar_prefetch = 0 : i64, scratch_operands = 4 : i64, tpu.core_type = #tpu.core_type<sc_vector_subcore>, window_params = [{transform_indices = #map}, {transform_indices = #map1}, {transform_indices = #map2}]} {
    %mul3A = arith.constant 2 : i32
    %mul3A_0 = arith.muli %arg1, %mul3A : i32
    %add3A = arith.addi %mul3A_0, %arg0 : i32
    %jit3A = arith.constant 8 : i32
    %div3A = arith.divsi %add3A, %jit3A : i32
    %sign3A = arith.constant 0 : i32
    %sign3A_1 = arith.cmpi sgt, %add3A, %sign3A : i32
    %sign3A_2 = arith.extui %sign3A_1 : i1 to i32
    %sign3A_3 = arith.constant 0 : i32
    %sign3A_4 = arith.cmpi slt, %add3A, %sign3A_3 : i32
    %sign3A_5 = arith.extui %sign3A_4 : i1 to i32
    %sign3A_6 = arith.subi %sign3A_2, %sign3A_5 : i32
    %sign3A_7 = arith.constant 0 : i32
    %sign3A_8 = arith.cmpi sgt, %jit3A, %sign3A_7 : i32
    %sign3A_9 = arith.extui %sign3A_8 : i1 to i32
    %sign3A_10 = arith.constant 0 : i32
    %sign3A_11 = arith.cmpi slt, %jit3A, %sign3A_10 : i32
    %sign3A_12 = arith.extui %sign3A_11 : i1 to i32
    %sign3A_13 = arith.subi %sign3A_9, %sign3A_12 : i32
    %ne3A = arith.cmpi ne, %sign3A_6, %sign3A_13 : i32
    %rem3A = arith.remsi %add3A, %jit3A : i32
    %ne3A_14 = arith.constant 0 : i32
    %ne3A_15 = arith.cmpi ne, %rem3A, %ne3A_14 : i32
    %and3A = arith.andi %ne3A, %ne3A_15 : i1
    %sub3A = arith.constant 1 : i32
    %sub3A_16 = arith.subi %div3A, %sub3A : i32
    %select_n3A = arith.select %and3A, %sub3A_16, %div3A : i32
    %jit3A_17 = arith.constant 8 : i32
    %eq3A = arith.constant 0 : i32
    %eq3A_18 = arith.cmpi eq, %jit3A_17, %eq3A : i32
    %jit3A_19 = arith.constant 1 : i32
    %select_n3A_20 = arith.select %eq3A_18, %jit3A_19, %jit3A_17 : i32
    %rem3A_21 = arith.remsi %add3A, %select_n3A_20 : i32
    %ne3A_22 = arith.constant 0 : i32
    %ne3A_23 = arith.cmpi ne, %rem3A_21, %ne3A_22 : i32
    %lt3A = arith.constant 0 : i32
    %lt3A_24 = arith.cmpi slt, %rem3A_21, %lt3A : i32
    %lt3A_25 = arith.constant 0 : i32
    %lt3A_26 = arith.cmpi slt, %select_n3A_20, %lt3A_25 : i32
    %ne3A_27 = arith.xori %lt3A_24, %lt3A_26 : i1
    %and3A_28 = arith.andi %ne3A_27, %ne3A_23 : i1
    %add3A_29 = arith.addi %rem3A_21, %select_n3A_20 : i32
    %select_n3A_30 = arith.select %and3A_28, %add3A_29, %rem3A_21 : i32
    "tpu.region"() ({
      %run_scoped3A = tpu.sem_alloc : memref<!tpu.dma_semaphore, #tpu.memory_space<semaphore_mem>>
      tpu.enqueue_dma source(%arg2 : memref<8241xf32, #tpu.memory_space<hbm>>) target(%arg5 : memref<8241xf32, #tpu.memory_space<vmem>>) target_semaphore(%run_scoped3A : memref<!tpu.dma_semaphore, #tpu.memory_space<semaphore_mem>>)
      tpu.wait_dma2 semaphore(%run_scoped3A : memref<!tpu.dma_semaphore, #tpu.memory_space<semaphore_mem>>) src(%arg2 : memref<8241xf32, #tpu.memory_space<hbm>>) dst(%arg5 : memref<8241xf32, #tpu.memory_space<vmem>>)
      tpu.yield
    }) : () -> ()
    %mul3A_31 = arith.constant 512 : i32
    %mul3A_32 = arith.muli %select_n3A_30, %mul3A_31 : i32
    "tpu.region"() ({
      %run_scoped3A = tpu.sem_alloc : memref<!tpu.dma_semaphore, #tpu.memory_space<semaphore_mem>>
      %dma_start3A_189 = tpu.memref_slice %arg3[%select_n3A, %mul3A_32] : memref<4x4096xi32, #tpu.memory_space<hbm>> -> memref<1x512xi32, #tpu.memory_space<hbm>>
      %dma_start3A_190 = tpu.memref_squeeze %dma_start3A_189 : memref<1x512xi32, #tpu.memory_space<hbm>> -> memref<512xi32, #tpu.memory_space<hbm>>
      %dma_start3A_191 = tpu.memref_slice %arg3[%select_n3A, %mul3A_32] : memref<4x4096xi32, #tpu.memory_space<hbm>> -> memref<1x512xi32, #tpu.memory_space<hbm>>
      %dma_start3A_192 = tpu.memref_squeeze %dma_start3A_191 : memref<1x512xi32, #tpu.memory_space<hbm>> -> memref<512xi32, #tpu.memory_space<hbm>>
      tpu.enqueue_dma source(%dma_start3A_192 : memref<512xi32, #tpu.memory_space<hbm>>) target(%arg6 : memref<512xi32, #tpu.memory_space<vmem>>) target_semaphore(%run_scoped3A : memref<!tpu.dma_semaphore, #tpu.memory_space<semaphore_mem>>)
      %dma_wait3A_193 = tpu.memref_slice %arg3[%select_n3A, %mul3A_32] : memref<4x4096xi32, #tpu.memory_space<hbm>> -> memref<1x512xi32, #tpu.memory_space<hbm>>
      %dma_wait3A_194 = tpu.memref_squeeze %dma_wait3A_193 : memref<1x512xi32, #tpu.memory_space<hbm>> -> memref<512xi32, #tpu.memory_space<hbm>>
      %dma_wait3A_195 = tpu.memref_slice %arg3[%select_n3A, %mul3A_32] : memref<4x4096xi32, #tpu.memory_space<hbm>> -> memref<1x512xi32, #tpu.memory_space<hbm>>
      %dma_wait3A_196 = tpu.memref_squeeze %dma_wait3A_195 : memref<1x512xi32, #tpu.memory_space<hbm>> -> memref<512xi32, #tpu.memory_space<hbm>>
      tpu.wait_dma2 semaphore(%run_scoped3A : memref<!tpu.dma_semaphore, #tpu.memory_space<semaphore_mem>>) src(%dma_wait3A_196 : memref<512xi32, #tpu.memory_space<hbm>>) dst(%arg6 : memref<512xi32, #tpu.memory_space<vmem>>)
      tpu.yield
    }) : () -> ()
    %parallel_loop3A = arith.constant 0 : i32
    %parallel_loop3A_33 = arith.constant 32 : i32
    %parallel_loop3A_34 = arith.constant 1 : i32
    scf.for %parallel_loop3A_189 = %parallel_loop3A to %parallel_loop3A_33 step %parallel_loop3A_34  : i32 {
      %parallel_loop3A_190 = arith.constant 16 : i32
      %parallel_loop3A_191 = arith.muli %parallel_loop3A_189, %parallel_loop3A_190 : i32
      %parallel_loop3A_192 = tpu.assume_multiple %parallel_loop3A_191, 16 : i32
      %parallel_loop3A_193 = arith.constant 8 : i32
      %parallel_loop3A_194 = arith.divsi %parallel_loop3A_189, %parallel_loop3A_193 : i32
      %parallel_loop3A_195 = arith.constant 0 : i32
      %parallel_loop3A_196 = arith.cmpi sgt, %parallel_loop3A_189, %parallel_loop3A_195 : i32
      %parallel_loop3A_197 = arith.extui %parallel_loop3A_196 : i1 to i32
      %parallel_loop3A_198 = arith.constant 0 : i32
      %parallel_loop3A_199 = arith.cmpi slt, %parallel_loop3A_189, %parallel_loop3A_198 : i32
      %parallel_loop3A_200 = arith.extui %parallel_loop3A_199 : i1 to i32
      %parallel_loop3A_201 = arith.subi %parallel_loop3A_197, %parallel_loop3A_200 : i32
      %parallel_loop3A_202 = arith.constant 0 : i32
      %parallel_loop3A_203 = arith.cmpi sgt, %parallel_loop3A_193, %parallel_loop3A_202 : i32
      %parallel_loop3A_204 = arith.extui %parallel_loop3A_203 : i1 to i32
      %parallel_loop3A_205 = arith.constant 0 : i32
      %parallel_loop3A_206 = arith.cmpi slt, %parallel_loop3A_193, %parallel_loop3A_205 : i32
      %parallel_loop3A_207 = arith.extui %parallel_loop3A_206 : i1 to i32
      %parallel_loop3A_208 = arith.subi %parallel_loop3A_204, %parallel_loop3A_207 : i32
      %parallel_loop3A_209 = arith.cmpi ne, %parallel_loop3A_201, %parallel_loop3A_208 : i32
      %parallel_loop3A_210 = arith.remsi %parallel_loop3A_189, %parallel_loop3A_193 : i32
      %parallel_loop3A_211 = arith.constant 0 : i32
      %parallel_loop3A_212 = arith.cmpi ne, %parallel_loop3A_210, %parallel_loop3A_211 : i32
      %parallel_loop3A_213 = arith.andi %parallel_loop3A_209, %parallel_loop3A_212 : i1
      %parallel_loop3A_214 = arith.constant 1 : i32
      %parallel_loop3A_215 = arith.subi %parallel_loop3A_194, %parallel_loop3A_214 : i32
      %parallel_loop3A_216 = arith.select %parallel_loop3A_213, %parallel_loop3A_215, %parallel_loop3A_194 : i32
      %parallel_loop3A_217 = arith.constant 8 : i32
      %parallel_loop3A_218 = arith.constant 0 : i32
      %parallel_loop3A_219 = arith.cmpi eq, %parallel_loop3A_217, %parallel_loop3A_218 : i32
      %parallel_loop3A_220 = arith.constant 1 : i32
      %parallel_loop3A_221 = arith.select %parallel_loop3A_219, %parallel_loop3A_220, %parallel_loop3A_217 : i32
      %parallel_loop3A_222 = arith.remsi %parallel_loop3A_189, %parallel_loop3A_221 : i32
      %parallel_loop3A_223 = arith.constant 0 : i32
      %parallel_loop3A_224 = arith.cmpi ne, %parallel_loop3A_222, %parallel_loop3A_223 : i32
      %parallel_loop3A_225 = arith.constant 0 : i32
      %parallel_loop3A_226 = arith.cmpi slt, %parallel_loop3A_222, %parallel_loop3A_225 : i32
      %parallel_loop3A_227 = arith.constant 0 : i32
      %parallel_loop3A_228 = arith.cmpi slt, %parallel_loop3A_221, %parallel_loop3A_227 : i32
      %parallel_loop3A_229 = arith.xori %parallel_loop3A_226, %parallel_loop3A_228 : i1
      %parallel_loop3A_230 = arith.andi %parallel_loop3A_229, %parallel_loop3A_224 : i1
      %parallel_loop3A_231 = arith.addi %parallel_loop3A_222, %parallel_loop3A_221 : i32
      %parallel_loop3A_232 = arith.select %parallel_loop3A_230, %parallel_loop3A_231, %parallel_loop3A_222 : i32
      %parallel_loop3A_233 = arith.constant 16 : i32
      %parallel_loop3A_234 = arith.muli %parallel_loop3A_232, %parallel_loop3A_233 : i32
      %parallel_loop3A_235 = arith.index_cast %parallel_loop3A_192 : i32 to index
      %parallel_loop3A_236 = tpu.vector_load %arg6[%parallel_loop3A_235] {strides = array<i32>} : memref<512xi32, #tpu.memory_space<vmem>>, vector<16xi32>,
      %parallel_loop3A_237 = arith.constant 41 : i32
      %parallel_loop3A_238 = vector.broadcast %parallel_loop3A_237 : i32 to vector<16xi32>
      %parallel_loop3A_239 = arith.muli %parallel_loop3A_236, %parallel_loop3A_238 : vector<16xi32>
      %parallel_loop3A_240 = arith.constant 0 : i32
      %parallel_loop3A_241 = vector.broadcast %parallel_loop3A_240 : i32 to vector<16xi32>
      %parallel_loop3A_242 = arith.addi %parallel_loop3A_239, %parallel_loop3A_241 : vector<16xi32>
      %parallel_loop3A_243 = tpu.vector_load_idx %arg5[%parallel_loop3A_242] : memref<8241xf32, #tpu.memory_space<vmem>>[vector<16xi32>], vector<16xf32>,
      %parallel_loop3A_244 = arith.constant 0 : i32
      %parallel_loop3A_245 = arith.constant 0 : i32
      %parallel_loop3A_246 = arith.index_cast %parallel_loop3A_216 : i32 to index
      %parallel_loop3A_247 = arith.index_cast %parallel_loop3A_244 : i32 to index
      %parallel_loop3A_248 = arith.index_cast %parallel_loop3A_245 : i32 to index
      %parallel_loop3A_249 = arith.index_cast %parallel_loop3A_234 : i32 to index
      %parallel_loop3A_250 = tpu.vector_load %arg7[%parallel_loop3A_246, %parallel_loop3A_247, %parallel_loop3A_248, %parallel_loop3A_249] {strides = array<i32>} : memref<4x41x1x128xf32, #tpu.memory_space<vmem>>, vector<16xf32>,
      tpu.vector_store %arg7[%parallel_loop3A_246, %parallel_loop3A_247, %parallel_loop3A_248, %parallel_loop3A_249], %parallel_loop3A_243 {strides = array<i32>} : memref<4x41x1x128xf32, #tpu.memory_space<vmem>>, vector<16xf32>,
      %parallel_loop3A_251 = arith.constant 1 : i32
      %parallel_loop3A_252 = vector.broadcast %parallel_loop3A_251 : i32 to vector<16xi32>
      %parallel_loop3A_253 = arith.addi %parallel_loop3A_239, %parallel_loop3A_252 : vector<16xi32>
      %parallel_loop3A_254 = tpu.vector_load_idx %arg5[%parallel_loop3A_253] : memref<8241xf32, #tpu.memory_space<vmem>>[vector<16xi32>], vector<16xf32>,
      %parallel_loop3A_255 = arith.constant 1 : i32
      %parallel_loop3A_256 = arith.constant 0 : i32
      %parallel_loop3A_257 = arith.index_cast %parallel_loop3A_216 : i32 to index
      %parallel_loop3A_258 = arith.index_cast %parallel_loop3A_255 : i32 to index
      %parallel_loop3A_259 = arith.index_cast %parallel_loop3A_256 : i32 to index
      %parallel_loop3A_260 = arith.index_cast %parallel_loop3A_234 : i32 to index
      %parallel_loop3A_261 = tpu.vector_load %arg7[%parallel_loop3A_257, %parallel_loop3A_258, %parallel_loop3A_259, %parallel_loop3A_260] {strides = array<i32>} : memref<4x41x1x128xf32, #tpu.memory_space<vmem>>, vector<16xf32>,
      tpu.vector_store %arg7[%parallel_loop3A_257, %parallel_loop3A_258, %parallel_loop3A_259, %parallel_loop3A_260], %parallel_loop3A_254 {strides = array<i32>} : memref<4x41x1x128xf32, #tpu.memory_space<vmem>>, vector<16xf32>,
      %parallel_loop3A_262 = arith.constant 2 : i32
      %parallel_loop3A_263 = vector.broadcast %parallel_loop3A_262 : i32 to vector<16xi32>
      %parallel_loop3A_264 = arith.addi %parallel_loop3A_239, %parallel_loop3A_263 : vector<16xi32>
      %parallel_loop3A_265 = tpu.vector_load_idx %arg5[%parallel_loop3A_264] : memref<8241xf32, #tpu.memory_space<vmem>>[vector<16xi32>], vector<16xf32>,
      %parallel_loop3A_266 = arith.constant 2 : i32
      %parallel_loop3A_267 = arith.constant 0 : i32
      %parallel_loop3A_268 = arith.index_cast %parallel_loop3A_216 : i32 to index
      %parallel_loop3A_269 = arith.index_cast %parallel_loop3A_266 : i32 to index
      %parallel_loop3A_270 = arith.index_cast %parallel_loop3A_267 : i32 to index
      %parallel_loop3A_271 = arith.index_cast %parallel_loop3A_234 : i32 to index
      %parallel_loop3A_272 = tpu.vector_load %arg7[%parallel_loop3A_268, %parallel_loop3A_269, %parallel_loop3A_270, %parallel_loop3A_271] {strides = array<i32>} : memref<4x41x1x128xf32, #tpu.memory_space<vmem>>, vector<16xf32>,
      tpu.vector_store %arg7[%parallel_loop3A_268, %parallel_loop3A_269, %parallel_loop3A_270, %parallel_loop3A_271], %parallel_loop3A_265 {strides = array<i32>} : memref<4x41x1x128xf32, #tpu.memory_space<vmem>>, vector<16xf32>,
      %parallel_loop3A_273 = arith.constant 3 : i32
      %parallel_loop3A_274 = vector.broadcast %parallel_loop3A_273 : i32 to vector<16xi32>
      %parallel_loop3A_275 = arith.addi %parallel_loop3A_239, %parallel_loop3A_274 : vector<16xi32>
      %parallel_loop3A_276 = tpu.vector_load_idx %arg5[%parallel_loop3A_275] : memref<8241xf32, #tpu.memory_space<vmem>>[vector<16xi32>], vector<16xf32>,
      %parallel_loop3A_277 = arith.constant 3 : i32
      %parallel_loop3A_278 = arith.constant 0 : i32
      %parallel_loop3A_279 = arith.index_cast %parallel_loop3A_216 : i32 to index
      %parallel_loop3A_280 = arith.index_cast %parallel_loop3A_277 : i32 to index
      %parallel_loop3A_281 = arith.index_cast %parallel_loop3A_278 : i32 to index
      %parallel_loop3A_282 = arith.index_cast %parallel_loop3A_234 : i32 to index
      %parallel_loop3A_283 = tpu.vector_load %arg7[%parallel_loop3A_279, %parallel_loop3A_280, %parallel_loop3A_281, %parallel_loop3A_282] {strides = array<i32>} : memref<4x41x1x128xf32, #tpu.memory_space<vmem>>, vector<16xf32>,
      tpu.vector_store %arg7[%parallel_loop3A_279, %parallel_loop3A_280, %parallel_loop3A_281, %parallel_loop3A_282], %parallel_loop3A_276 {strides = array<i32>} : memref<4x41x1x128xf32, #tpu.memory_space<vmem>>, vector<16xf32>,
      %parallel_loop3A_284 = arith.constant 4 : i32
      %parallel_loop3A_285 = vector.broadcast %parallel_loop3A_284 : i32 to vector<16xi32>
      %parallel_loop3A_286 = arith.addi %parallel_loop3A_239, %parallel_loop3A_285 : vector<16xi32>
      %parallel_loop3A_287 = tpu.vector_load_idx %arg5[%parallel_loop3A_286] : memref<8241xf32, #tpu.memory_space<vmem>>[vector<16xi32>], vector<16xf32>,
      %parallel_loop3A_288 = arith.constant 4 : i32
      %parallel_loop3A_289 = arith.constant 0 : i32
      %parallel_loop3A_290 = arith.index_cast %parallel_loop3A_216 : i32 to index
      %parallel_loop3A_291 = arith.index_cast %parallel_loop3A_288 : i32 to index
      %parallel_loop3A_292 = arith.index_cast %parallel_loop3A_289 : i32 to index
      %parallel_loop3A_293 = arith.index_cast %parallel_loop3A_234 : i32 to index
      %parallel_loop3A_294 = tpu.vector_load %arg7[%parallel_loop3A_290, %parallel_loop3A_291, %parallel_loop3A_292, %parallel_loop3A_293] {strides = array<i32>} : memref<4x41x1x128xf32, #tpu.memory_space<vmem>>, vector<16xf32>,
      tpu.vector_store %arg7[%parallel_loop3A_290, %parallel_loop3A_291, %parallel_loop3A_292, %parallel_loop3A_293], %parallel_loop3A_287 {strides = array<i32>} : memref<4x41x1x128xf32, #tpu.memory_space<vmem>>, vector<16xf32>,
      %parallel_loop3A_295 = arith.constant 5 : i32
      %parallel_loop3A_296 = vector.broadcast %parallel_loop3A_295 : i32 to vector<16xi32>
      %parallel_loop3A_297 = arith.addi %parallel_loop3A_239, %parallel_loop3A_296 : vector<16xi32>
      %parallel_loop3A_298 = tpu.vector_load_idx %arg5[%parallel_loop3A_297] : memref<8241xf32, #tpu.memory_space<vmem>>[vector<16xi32>], vector<16xf32>,
      %parallel_loop3A_299 = arith.constant 5 : i32
      %parallel_loop3A_300 = arith.constant 0 : i32
      %parallel_loop3A_301 = arith.index_cast %parallel_loop3A_216 : i32 to index
      %parallel_loop3A_302 = arith.index_cast %parallel_loop3A_299 : i32 to index
      %parallel_loop3A_303 = arith.index_cast %parallel_loop3A_300 : i32 to index
      %parallel_loop3A_304 = arith.index_cast %parallel_loop3A_234 : i32 to index
      %parallel_loop3A_305 = tpu.vector_load %arg7[%parallel_loop3A_301, %parallel_loop3A_302, %parallel_loop3A_303, %parallel_loop3A_304] {strides = array<i32>} : memref<4x41x1x128xf32, #tpu.memory_space<vmem>>, vector<16xf32>,
      tpu.vector_store %arg7[%parallel_loop3A_301, %parallel_loop3A_302, %parallel_loop3A_303, %parallel_loop3A_304], %parallel_loop3A_298 {strides = array<i32>} : memref<4x41x1x128xf32, #tpu.memory_space<vmem>>, vector<16xf32>,
      %parallel_loop3A_306 = arith.constant 6 : i32
      %parallel_loop3A_307 = vector.broadcast %parallel_loop3A_306 : i32 to vector<16xi32>
      %parallel_loop3A_308 = arith.addi %parallel_loop3A_239, %parallel_loop3A_307 : vector<16xi32>
      %parallel_loop3A_309 = tpu.vector_load_idx %arg5[%parallel_loop3A_308] : memref<8241xf32, #tpu.memory_space<vmem>>[vector<16xi32>], vector<16xf32>,
      %parallel_loop3A_310 = arith.constant 6 : i32
      %parallel_loop3A_311 = arith.constant 0 : i32
      %parallel_loop3A_312 = arith.index_cast %parallel_loop3A_216 : i32 to index
      %parallel_loop3A_313 = arith.index_cast %parallel_loop3A_310 : i32 to index
      %parallel_loop3A_314 = arith.index_cast %parallel_loop3A_311 : i32 to index
      %parallel_loop3A_315 = arith.index_cast %parallel_loop3A_234 : i32 to index
      %parallel_loop3A_316 = tpu.vector_load %arg7[%parallel_loop3A_312, %parallel_loop3A_313, %parallel_loop3A_314, %parallel_loop3A_315] {strides = array<i32>} : memref<4x41x1x128xf32, #tpu.memory_space<vmem>>, vector<16xf32>,
      tpu.vector_store %arg7[%parallel_loop3A_312, %parallel_loop3A_313, %parallel_loop3A_314, %parallel_loop3A_315], %parallel_loop3A_309 {strides = array<i32>} : memref<4x41x1x128xf32, #tpu.memory_space<vmem>>, vector<16xf32>,
      %parallel_loop3A_317 = arith.constant 7 : i32
      %parallel_loop3A_318 = vector.broadcast %parallel_loop3A_317 : i32 to vector<16xi32>
      %parallel_loop3A_319 = arith.addi %parallel_loop3A_239, %parallel_loop3A_318 : vector<16xi32>
      %parallel_loop3A_320 = tpu.vector_load_idx %arg5[%parallel_loop3A_319] : memref<8241xf32, #tpu.memory_space<vmem>>[vector<16xi32>], vector<16xf32>,
      %parallel_loop3A_321 = arith.constant 7 : i32
      %parallel_loop3A_322 = arith.constant 0 : i32
      %parallel_loop3A_323 = arith.index_cast %parallel_loop3A_216 : i32 to index
      %parallel_loop3A_324 = arith.index_cast %parallel_loop3A_321 : i32 to index
      %parallel_loop3A_325 = arith.index_cast %parallel_loop3A_322 : i32 to index
      %parallel_loop3A_326 = arith.index_cast %parallel_loop3A_234 : i32 to index
      %parallel_loop3A_327 = tpu.vector_load %arg7[%parallel_loop3A_323, %parallel_loop3A_324, %parallel_loop3A_325, %parallel_loop3A_326] {strides = array<i32>} : memref<4x41x1x128xf32, #tpu.memory_space<vmem>>, vector<16xf32>,
      tpu.vector_store %arg7[%parallel_loop3A_323, %parallel_loop3A_324, %parallel_loop3A_325, %parallel_loop3A_326], %parallel_loop3A_320 {strides = array<i32>} : memref<4x41x1x128xf32, #tpu.memory_space<vmem>>, vector<16xf32>,
      %parallel_loop3A_328 = arith.constant 8 : i32
      %parallel_loop3A_329 = vector.broadcast %parallel_loop3A_328 : i32 to vector<16xi32>
      %parallel_loop3A_330 = arith.addi %parallel_loop3A_239, %parallel_loop3A_329 : vector<16xi32>
      %parallel_loop3A_331 = tpu.vector_load_idx %arg5[%parallel_loop3A_330] : memref<8241xf32, #tpu.memory_space<vmem>>[vector<16xi32>], vector<16xf32>,
      %parallel_loop3A_332 = arith.constant 8 : i32
      %parallel_loop3A_333 = arith.constant 0 : i32
      %parallel_loop3A_334 = arith.index_cast %parallel_loop3A_216 : i32 to index
      %parallel_loop3A_335 = arith.index_cast %parallel_loop3A_332 : i32 to index
      %parallel_loop3A_336 = arith.index_cast %parallel_loop3A_333 : i32 to index
      %parallel_loop3A_337 = arith.index_cast %parallel_loop3A_234 : i32 to index
      %parallel_loop3A_338 = tpu.vector_load %arg7[%parallel_loop3A_334, %parallel_loop3A_335, %parallel_loop3A_336, %parallel_loop3A_337] {strides = array<i32>} : memref<4x41x1x128xf32, #tpu.memory_space<vmem>>, vector<16xf32>,
      tpu.vector_store %arg7[%parallel_loop3A_334, %parallel_loop3A_335, %parallel_loop3A_336, %parallel_loop3A_337], %parallel_loop3A_331 {strides = array<i32>} : memref<4x41x1x128xf32, #tpu.memory_space<vmem>>, vector<16xf32>,
      %parallel_loop3A_339 = arith.constant 9 : i32
      %parallel_loop3A_340 = vector.broadcast %parallel_loop3A_339 : i32 to vector<16xi32>
      %parallel_loop3A_341 = arith.addi %parallel_loop3A_239, %parallel_loop3A_340 : vector<16xi32>
      %parallel_loop3A_342 = tpu.vector_load_idx %arg5[%parallel_loop3A_341] : memref<8241xf32, #tpu.memory_space<vmem>>[vector<16xi32>], vector<16xf32>,
      %parallel_loop3A_343 = arith.constant 9 : i32
      %parallel_loop3A_344 = arith.constant 0 : i32
      %parallel_loop3A_345 = arith.index_cast %parallel_loop3A_216 : i32 to index
      %parallel_loop3A_346 = arith.index_cast %parallel_loop3A_343 : i32 to index
      %parallel_loop3A_347 = arith.index_cast %parallel_loop3A_344 : i32 to index
      %parallel_loop3A_348 = arith.index_cast %parallel_loop3A_234 : i32 to index
      %parallel_loop3A_349 = tpu.vector_load %arg7[%parallel_loop3A_345, %parallel_loop3A_346, %parallel_loop3A_347, %parallel_loop3A_348] {strides = array<i32>} : memref<4x41x1x128xf32, #tpu.memory_space<vmem>>, vector<16xf32>,
      tpu.vector_store %arg7[%parallel_loop3A_345, %parallel_loop3A_346, %parallel_loop3A_347, %parallel_loop3A_348], %parallel_loop3A_342 {strides = array<i32>} : memref<4x41x1x128xf32, #tpu.memory_space<vmem>>, vector<16xf32>,
      %parallel_loop3A_350 = arith.constant 10 : i32
      %parallel_loop3A_351 = vector.broadcast %parallel_loop3A_350 : i32 to vector<16xi32>
      %parallel_loop3A_352 = arith.addi %parallel_loop3A_239, %parallel_loop3A_351 : vector<16xi32>
      %parallel_loop3A_353 = tpu.vector_load_idx %arg5[%parallel_loop3A_352] : memref<8241xf32, #tpu.memory_space<vmem>>[vector<16xi32>], vector<16xf32>,
      %parallel_loop3A_354 = arith.constant 10 : i32
      %parallel_loop3A_355 = arith.constant 0 : i32
      %parallel_loop3A_356 = arith.index_cast %parallel_loop3A_216 : i32 to index
      %parallel_loop3A_357 = arith.index_cast %parallel_loop3A_354 : i32 to index
      %parallel_loop3A_358 = arith.index_cast %parallel_loop3A_355 : i32 to index
      %parallel_loop3A_359 = arith.index_cast %parallel_loop3A_234 : i32 to index
      %parallel_loop3A_360 = tpu.vector_load %arg7[%parallel_loop3A_356, %parallel_loop3A_357, %parallel_loop3A_358, %parallel_loop3A_359] {strides = array<i32>} : memref<4x41x1x128xf32, #tpu.memory_space<vmem>>, vector<16xf32>,
      tpu.vector_store %arg7[%parallel_loop3A_356, %parallel_loop3A_357, %parallel_loop3A_358, %parallel_loop3A_359], %parallel_loop3A_353 {strides = array<i32>} : memref<4x41x1x128xf32, #tpu.memory_space<vmem>>, vector<16xf32>,
      %parallel_loop3A_361 = arith.constant 11 : i32
      %parallel_loop3A_362 = vector.broadcast %parallel_loop3A_361 : i32 to vector<16xi32>
      %parallel_loop3A_363 = arith.addi %parallel_loop3A_239, %parallel_loop3A_362 : vector<16xi32>
      %parallel_loop3A_364 = tpu.vector_load_idx %arg5[%parallel_loop3A_363] : memref<8241xf32, #tpu.memory_space<vmem>>[vector<16xi32>], vector<16xf32>,
      %parallel_loop3A_365 = arith.constant 11 : i32
      %parallel_loop3A_366 = arith.constant 0 : i32
      %parallel_loop3A_367 = arith.index_cast %parallel_loop3A_216 : i32 to index
      %parallel_loop3A_368 = arith.index_cast %parallel_loop3A_365 : i32 to index
      %parallel_loop3A_369 = arith.index_cast %parallel_loop3A_366 : i32 to index
      %parallel_loop3A_370 = arith.index_cast %parallel_loop3A_234 : i32 to index
      %parallel_loop3A_371 = tpu.vector_load %arg7[%parallel_loop3A_367, %parallel_loop3A_368, %parallel_loop3A_369, %parallel_loop3A_370] {strides = array<i32>} : memref<4x41x1x128xf32, #tpu.memory_space<vmem>>, vector<16xf32>,
      tpu.vector_store %arg7[%parallel_loop3A_367, %parallel_loop3A_368, %parallel_loop3A_369, %parallel_loop3A_370], %parallel_loop3A_364 {strides = array<i32>} : memref<4x41x1x128xf32, #tpu.memory_space<vmem>>, vector<16xf32>,
      %parallel_loop3A_372 = arith.constant 12 : i32
      %parallel_loop3A_373 = vector.broadcast %parallel_loop3A_372 : i32 to vector<16xi32>
      %parallel_loop3A_374 = arith.addi %parallel_loop3A_239, %parallel_loop3A_373 : vector<16xi32>
      %parallel_loop3A_375 = tpu.vector_load_idx %arg5[%parallel_loop3A_374] : memref<8241xf32, #tpu.memory_space<vmem>>[vector<16xi32>], vector<16xf32>,
      %parallel_loop3A_376 = arith.constant 12 : i32
      %parallel_loop3A_377 = arith.constant 0 : i32
      %parallel_loop3A_378 = arith.index_cast %parallel_loop3A_216 : i32 to index
      %parallel_loop3A_379 = arith.index_cast %parallel_loop3A_376 : i32 to index
      %parallel_loop3A_380 = arith.index_cast %parallel_loop3A_377 : i32 to index
      %parallel_loop3A_381 = arith.index_cast %parallel_loop3A_234 : i32 to index
      %parallel_loop3A_382 = tpu.vector_load %arg7[%parallel_loop3A_378, %parallel_loop3A_379, %parallel_loop3A_380, %parallel_loop3A_381] {strides = array<i32>} : memref<4x41x1x128xf32, #tpu.memory_space<vmem>>, vector<16xf32>,
      tpu.vector_store %arg7[%parallel_loop3A_378, %parallel_loop3A_379, %parallel_loop3A_380, %parallel_loop3A_381], %parallel_loop3A_375 {strides = array<i32>} : memref<4x41x1x128xf32, #tpu.memory_space<vmem>>, vector<16xf32>,
      %parallel_loop3A_383 = arith.constant 13 : i32
      %parallel_loop3A_384 = vector.broadcast %parallel_loop3A_383 : i32 to vector<16xi32>
      %parallel_loop3A_385 = arith.addi %parallel_loop3A_239, %parallel_loop3A_384 : vector<16xi32>
      %parallel_loop3A_386 = tpu.vector_load_idx %arg5[%parallel_loop3A_385] : memref<8241xf32, #tpu.memory_space<vmem>>[vector<16xi32>], vector<16xf32>,
      %parallel_loop3A_387 = arith.constant 13 : i32
      %parallel_loop3A_388 = arith.constant 0 : i32
      %parallel_loop3A_389 = arith.index_cast %parallel_loop3A_216 : i32 to index
      %parallel_loop3A_390 = arith.index_cast %parallel_loop3A_387 : i32 to index
      %parallel_loop3A_391 = arith.index_cast %parallel_loop3A_388 : i32 to index
      %parallel_loop3A_392 = arith.index_cast %parallel_loop3A_234 : i32 to index
      %parallel_loop3A_393 = tpu.vector_load %arg7[%parallel_loop3A_389, %parallel_loop3A_390, %parallel_loop3A_391, %parallel_loop3A_392] {strides = array<i32>} : memref<4x41x1x128xf32, #tpu.memory_space<vmem>>, vector<16xf32>,
      tpu.vector_store %arg7[%parallel_loop3A_389, %parallel_loop3A_390, %parallel_loop3A_391, %parallel_loop3A_392], %parallel_loop3A_386 {strides = array<i32>} : memref<4x41x1x128xf32, #tpu.memory_space<vmem>>, vector<16xf32>,
      %parallel_loop3A_394 = arith.constant 14 : i32
      %parallel_loop3A_395 = vector.broadcast %parallel_loop3A_394 : i32 to vector<16xi32>
      %parallel_loop3A_396 = arith.addi %parallel_loop3A_239, %parallel_loop3A_395 : vector<16xi32>
      %parallel_loop3A_397 = tpu.vector_load_idx %arg5[%parallel_loop3A_396] : memref<8241xf32, #tpu.memory_space<vmem>>[vector<16xi32>], vector<16xf32>,
      %parallel_loop3A_398 = arith.constant 14 : i32
      %parallel_loop3A_399 = arith.constant 0 : i32
      %parallel_loop3A_400 = arith.index_cast %parallel_loop3A_216 : i32 to index
      %parallel_loop3A_401 = arith.index_cast %parallel_loop3A_398 : i32 to index
      %parallel_loop3A_402 = arith.index_cast %parallel_loop3A_399 : i32 to index
      %parallel_loop3A_403 = arith.index_cast %parallel_loop3A_234 : i32 to index
      %parallel_loop3A_404 = tpu.vector_load %arg7[%parallel_loop3A_400, %parallel_loop3A_401, %parallel_loop3A_402, %parallel_loop3A_403] {strides = array<i32>} : memref<4x41x1x128xf32, #tpu.memory_space<vmem>>, vector<16xf32>,
      tpu.vector_store %arg7[%parallel_loop3A_400, %parallel_loop3A_401, %parallel_loop3A_402, %parallel_loop3A_403], %parallel_loop3A_397 {strides = array<i32>} : memref<4x41x1x128xf32, #tpu.memory_space<vmem>>, vector<16xf32>,
      %parallel_loop3A_405 = arith.constant 15 : i32
      %parallel_loop3A_406 = vector.broadcast %parallel_loop3A_405 : i32 to vector<16xi32>
      %parallel_loop3A_407 = arith.addi %parallel_loop3A_239, %parallel_loop3A_406 : vector<16xi32>
      %parallel_loop3A_408 = tpu.vector_load_idx %arg5[%parallel_loop3A_407] : memref<8241xf32, #tpu.memory_space<vmem>>[vector<16xi32>], vector<16xf32>,
      %parallel_loop3A_409 = arith.constant 15 : i32
      %parallel_loop3A_410 = arith.constant 0 : i32
      %parallel_loop3A_411 = arith.index_cast %parallel_loop3A_216 : i32 to index
      %parallel_loop3A_412 = arith.index_cast %parallel_loop3A_409 : i32 to index
      %parallel_loop3A_413 = arith.index_cast %parallel_loop3A_410 : i32 to index
      %parallel_loop3A_414 = arith.index_cast %parallel_loop3A_234 : i32 to index
      %parallel_loop3A_415 = tpu.vector_load %arg7[%parallel_loop3A_411, %parallel_loop3A_412, %parallel_loop3A_413, %parallel_loop3A_414] {strides = array<i32>} : memref<4x41x1x128xf32, #tpu.memory_space<vmem>>, vector<16xf32>,
      tpu.vector_store %arg7[%parallel_loop3A_411, %parallel_loop3A_412, %parallel_loop3A_413, %parallel_loop3A_414], %parallel_loop3A_408 {strides = array<i32>} : memref<4x41x1x128xf32, #tpu.memory_space<vmem>>, vector<16xf32>,
      %parallel_loop3A_416 = arith.constant 16 : i32
      %parallel_loop3A_417 = vector.broadcast %parallel_loop3A_416 : i32 to vector<16xi32>
      %parallel_loop3A_418 = arith.addi %parallel_loop3A_239, %parallel_loop3A_417 : vector<16xi32>
      %parallel_loop3A_419 = tpu.vector_load_idx %arg5[%parallel_loop3A_418] : memref<8241xf32, #tpu.memory_space<vmem>>[vector<16xi32>], vector<16xf32>,
      %parallel_loop3A_420 = arith.constant 16 : i32
      %parallel_loop3A_421 = arith.constant 0 : i32
      %parallel_loop3A_422 = arith.index_cast %parallel_loop3A_216 : i32 to index
      %parallel_loop3A_423 = arith.index_cast %parallel_loop3A_420 : i32 to index
      %parallel_loop3A_424 = arith.index_cast %parallel_loop3A_421 : i32 to index
      %parallel_loop3A_425 = arith.index_cast %parallel_loop3A_234 : i32 to index
      %parallel_loop3A_426 = tpu.vector_load %arg7[%parallel_loop3A_422, %parallel_loop3A_423, %parallel_loop3A_424, %parallel_loop3A_425] {strides = array<i32>} : memref<4x41x1x128xf32, #tpu.memory_space<vmem>>, vector<16xf32>,
      tpu.vector_store %arg7[%parallel_loop3A_422, %parallel_loop3A_423, %parallel_loop3A_424, %parallel_loop3A_425], %parallel_loop3A_419 {strides = array<i32>} : memref<4x41x1x128xf32, #tpu.memory_space<vmem>>, vector<16xf32>,
      %parallel_loop3A_427 = arith.constant 17 : i32
      %parallel_loop3A_428 = vector.broadcast %parallel_loop3A_427 : i32 to vector<16xi32>
      %parallel_loop3A_429 = arith.addi %parallel_loop3A_239, %parallel_loop3A_428 : vector<16xi32>
      %parallel_loop3A_430 = tpu.vector_load_idx %arg5[%parallel_loop3A_429] : memref<8241xf32, #tpu.memory_space<vmem>>[vector<16xi32>], vector<16xf32>,
      %parallel_loop3A_431 = arith.constant 17 : i32
      %parallel_loop3A_432 = arith.constant 0 : i32
      %parallel_loop3A_433 = arith.index_cast %parallel_loop3A_216 : i32 to index
      %parallel_loop3A_434 = arith.index_cast %parallel_loop3A_431 : i32 to index
      %parallel_loop3A_435 = arith.index_cast %parallel_loop3A_432 : i32 to index
      %parallel_loop3A_436 = arith.index_cast %parallel_loop3A_234 : i32 to index
      %parallel_loop3A_437 = tpu.vector_load %arg7[%parallel_loop3A_433, %parallel_loop3A_434, %parallel_loop3A_435, %parallel_loop3A_436] {strides = array<i32>} : memref<4x41x1x128xf32, #tpu.memory_space<vmem>>, vector<16xf32>,
      tpu.vector_store %arg7[%parallel_loop3A_433, %parallel_loop3A_434, %parallel_loop3A_435, %parallel_loop3A_436], %parallel_loop3A_430 {strides = array<i32>} : memref<4x41x1x128xf32, #tpu.memory_space<vmem>>, vector<16xf32>,
      %parallel_loop3A_438 = arith.constant 18 : i32
      %parallel_loop3A_439 = vector.broadcast %parallel_loop3A_438 : i32 to vector<16xi32>
      %parallel_loop3A_440 = arith.addi %parallel_loop3A_239, %parallel_loop3A_439 : vector<16xi32>
      %parallel_loop3A_441 = tpu.vector_load_idx %arg5[%parallel_loop3A_440] : memref<8241xf32, #tpu.memory_space<vmem>>[vector<16xi32>], vector<16xf32>,
      %parallel_loop3A_442 = arith.constant 18 : i32
      %parallel_loop3A_443 = arith.constant 0 : i32
      %parallel_loop3A_444 = arith.index_cast %parallel_loop3A_216 : i32 to index
      %parallel_loop3A_445 = arith.index_cast %parallel_loop3A_442 : i32 to index
      %parallel_loop3A_446 = arith.index_cast %parallel_loop3A_443 : i32 to index
      %parallel_loop3A_447 = arith.index_cast %parallel_loop3A_234 : i32 to index
      %parallel_loop3A_448 = tpu.vector_load %arg7[%parallel_loop3A_444, %parallel_loop3A_445, %parallel_loop3A_446, %parallel_loop3A_447] {strides = array<i32>} : memref<4x41x1x128xf32, #tpu.memory_space<vmem>>, vector<16xf32>,
      tpu.vector_store %arg7[%parallel_loop3A_444, %parallel_loop3A_445, %parallel_loop3A_446, %parallel_loop3A_447], %parallel_loop3A_441 {strides = array<i32>} : memref<4x41x1x128xf32, #tpu.memory_space<vmem>>, vector<16xf32>,
      %parallel_loop3A_449 = arith.constant 19 : i32
      %parallel_loop3A_450 = vector.broadcast %parallel_loop3A_449 : i32 to vector<16xi32>
      %parallel_loop3A_451 = arith.addi %parallel_loop3A_239, %parallel_loop3A_450 : vector<16xi32>
      %parallel_loop3A_452 = tpu.vector_load_idx %arg5[%parallel_loop3A_451] : memref<8241xf32, #tpu.memory_space<vmem>>[vector<16xi32>], vector<16xf32>,
      %parallel_loop3A_453 = arith.constant 19 : i32
      %parallel_loop3A_454 = arith.constant 0 : i32
      %parallel_loop3A_455 = arith.index_cast %parallel_loop3A_216 : i32 to index
      %parallel_loop3A_456 = arith.index_cast %parallel_loop3A_453 : i32 to index
      %parallel_loop3A_457 = arith.index_cast %parallel_loop3A_454 : i32 to index
      %parallel_loop3A_458 = arith.index_cast %parallel_loop3A_234 : i32 to index
      %parallel_loop3A_459 = tpu.vector_load %arg7[%parallel_loop3A_455, %parallel_loop3A_456, %parallel_loop3A_457, %parallel_loop3A_458] {strides = array<i32>} : memref<4x41x1x128xf32, #tpu.memory_space<vmem>>, vector<16xf32>,
      tpu.vector_store %arg7[%parallel_loop3A_455, %parallel_loop3A_456, %parallel_loop3A_457, %parallel_loop3A_458], %parallel_loop3A_452 {strides = array<i32>} : memref<4x41x1x128xf32, #tpu.memory_space<vmem>>, vector<16xf32>,
      %parallel_loop3A_460 = arith.constant 20 : i32
      %parallel_loop3A_461 = vector.broadcast %parallel_loop3A_460 : i32 to vector<16xi32>
      %parallel_loop3A_462 = arith.addi %parallel_loop3A_239, %parallel_loop3A_461 : vector<16xi32>
      %parallel_loop3A_463 = tpu.vector_load_idx %arg5[%parallel_loop3A_462] : memref<8241xf32, #tpu.memory_space<vmem>>[vector<16xi32>], vector<16xf32>,
      %parallel_loop3A_464 = arith.constant 20 : i32
      %parallel_loop3A_465 = arith.constant 0 : i32
      %parallel_loop3A_466 = arith.index_cast %parallel_loop3A_216 : i32 to index
      %parallel_loop3A_467 = arith.index_cast %parallel_loop3A_464 : i32 to index
      %parallel_loop3A_468 = arith.index_cast %parallel_loop3A_465 : i32 to index
      %parallel_loop3A_469 = arith.index_cast %parallel_loop3A_234 : i32 to index
      %parallel_loop3A_470 = tpu.vector_load %arg7[%parallel_loop3A_466, %parallel_loop3A_467, %parallel_loop3A_468, %parallel_loop3A_469] {strides = array<i32>} : memref<4x41x1x128xf32, #tpu.memory_space<vmem>>, vector<16xf32>,
      tpu.vector_store %arg7[%parallel_loop3A_466, %parallel_loop3A_467, %parallel_loop3A_468, %parallel_loop3A_469], %parallel_loop3A_463 {strides = array<i32>} : memref<4x41x1x128xf32, #tpu.memory_space<vmem>>, vector<16xf32>,
      %parallel_loop3A_471 = arith.constant 21 : i32
      %parallel_loop3A_472 = vector.broadcast %parallel_loop3A_471 : i32 to vector<16xi32>
      %parallel_loop3A_473 = arith.addi %parallel_loop3A_239, %parallel_loop3A_472 : vector<16xi32>
      %parallel_loop3A_474 = tpu.vector_load_idx %arg5[%parallel_loop3A_473] : memref<8241xf32, #tpu.memory_space<vmem>>[vector<16xi32>], vector<16xf32>,
      %parallel_loop3A_475 = arith.constant 21 : i32
      %parallel_loop3A_476 = arith.constant 0 : i32
      %parallel_loop3A_477 = arith.index_cast %parallel_loop3A_216 : i32 to index
      %parallel_loop3A_478 = arith.index_cast %parallel_loop3A_475 : i32 to index
      %parallel_loop3A_479 = arith.index_cast %parallel_loop3A_476 : i32 to index
      %parallel_loop3A_480 = arith.index_cast %parallel_loop3A_234 : i32 to index
      %parallel_loop3A_481 = tpu.vector_load %arg7[%parallel_loop3A_477, %parallel_loop3A_478, %parallel_loop3A_479, %parallel_loop3A_480] {strides = array<i32>} : memref<4x41x1x128xf32, #tpu.memory_space<vmem>>, vector<16xf32>,
      tpu.vector_store %arg7[%parallel_loop3A_477, %parallel_loop3A_478, %parallel_loop3A_479, %parallel_loop3A_480], %parallel_loop3A_474 {strides = array<i32>} : memref<4x41x1x128xf32, #tpu.memory_space<vmem>>, vector<16xf32>,
      %parallel_loop3A_482 = arith.constant 22 : i32
      %parallel_loop3A_483 = vector.broadcast %parallel_loop3A_482 : i32 to vector<16xi32>
      %parallel_loop3A_484 = arith.addi %parallel_loop3A_239, %parallel_loop3A_483 : vector<16xi32>
      %parallel_loop3A_485 = tpu.vector_load_idx %arg5[%parallel_loop3A_484] : memref<8241xf32, #tpu.memory_space<vmem>>[vector<16xi32>], vector<16xf32>,
      %parallel_loop3A_486 = arith.constant 22 : i32
      %parallel_loop3A_487 = arith.constant 0 : i32
      %parallel_loop3A_488 = arith.index_cast %parallel_loop3A_216 : i32 to index
      %parallel_loop3A_489 = arith.index_cast %parallel_loop3A_486 : i32 to index
      %parallel_loop3A_490 = arith.index_cast %parallel_loop3A_487 : i32 to index
      %parallel_loop3A_491 = arith.index_cast %parallel_loop3A_234 : i32 to index
      %parallel_loop3A_492 = tpu.vector_load %arg7[%parallel_loop3A_488, %parallel_loop3A_489, %parallel_loop3A_490, %parallel_loop3A_491] {strides = array<i32>} : memref<4x41x1x128xf32, #tpu.memory_space<vmem>>, vector<16xf32>,
      tpu.vector_store %arg7[%parallel_loop3A_488, %parallel_loop3A_489, %parallel_loop3A_490, %parallel_loop3A_491], %parallel_loop3A_485 {strides = array<i32>} : memref<4x41x1x128xf32, #tpu.memory_space<vmem>>, vector<16xf32>,
      %parallel_loop3A_493 = arith.constant 23 : i32
      %parallel_loop3A_494 = vector.broadcast %parallel_loop3A_493 : i32 to vector<16xi32>
      %parallel_loop3A_495 = arith.addi %parallel_loop3A_239, %parallel_loop3A_494 : vector<16xi32>
      %parallel_loop3A_496 = tpu.vector_load_idx %arg5[%parallel_loop3A_495] : memref<8241xf32, #tpu.memory_space<vmem>>[vector<16xi32>], vector<16xf32>,
      %parallel_loop3A_497 = arith.constant 23 : i32
      %parallel_loop3A_498 = arith.constant 0 : i32
      %parallel_loop3A_499 = arith.index_cast %parallel_loop3A_216 : i32 to index
      %parallel_loop3A_500 = arith.index_cast %parallel_loop3A_497 : i32 to index
      %parallel_loop3A_501 = arith.index_cast %parallel_loop3A_498 : i32 to index
      %parallel_loop3A_502 = arith.index_cast %parallel_loop3A_234 : i32 to index
      %parallel_loop3A_503 = tpu.vector_load %arg7[%parallel_loop3A_499, %parallel_loop3A_500, %parallel_loop3A_501, %parallel_loop3A_502] {strides = array<i32>} : memref<4x41x1x128xf32, #tpu.memory_space<vmem>>, vector<16xf32>,
      tpu.vector_store %arg7[%parallel_loop3A_499, %parallel_loop3A_500, %parallel_loop3A_501, %parallel_loop3A_502], %parallel_loop3A_496 {strides = array<i32>} : memref<4x41x1x128xf32, #tpu.memory_space<vmem>>, vector<16xf32>,
      %parallel_loop3A_504 = arith.constant 24 : i32
      %parallel_loop3A_505 = vector.broadcast %parallel_loop3A_504 : i32 to vector<16xi32>
      %parallel_loop3A_506 = arith.addi %parallel_loop3A_239, %parallel_loop3A_505 : vector<16xi32>
      %parallel_loop3A_507 = tpu.vector_load_idx %arg5[%parallel_loop3A_506] : memref<8241xf32, #tpu.memory_space<vmem>>[vector<16xi32>], vector<16xf32>,
      %parallel_loop3A_508 = arith.constant 24 : i32
      %parallel_loop3A_509 = arith.constant 0 : i32
      %parallel_loop3A_510 = arith.index_cast %parallel_loop3A_216 : i32 to index
      %parallel_loop3A_511 = arith.index_cast %parallel_loop3A_508 : i32 to index
      %parallel_loop3A_512 = arith.index_cast %parallel_loop3A_509 : i32 to index
      %parallel_loop3A_513 = arith.index_cast %parallel_loop3A_234 : i32 to index
      %parallel_loop3A_514 = tpu.vector_load %arg7[%parallel_loop3A_510, %parallel_loop3A_511, %parallel_loop3A_512, %parallel_loop3A_513] {strides = array<i32>} : memref<4x41x1x128xf32, #tpu.memory_space<vmem>>, vector<16xf32>,
      tpu.vector_store %arg7[%parallel_loop3A_510, %parallel_loop3A_511, %parallel_loop3A_512, %parallel_loop3A_513], %parallel_loop3A_507 {strides = array<i32>} : memref<4x41x1x128xf32, #tpu.memory_space<vmem>>, vector<16xf32>,
      %parallel_loop3A_515 = arith.constant 25 : i32
      %parallel_loop3A_516 = vector.broadcast %parallel_loop3A_515 : i32 to vector<16xi32>
      %parallel_loop3A_517 = arith.addi %parallel_loop3A_239, %parallel_loop3A_516 : vector<16xi32>
      %parallel_loop3A_518 = tpu.vector_load_idx %arg5[%parallel_loop3A_517] : memref<8241xf32, #tpu.memory_space<vmem>>[vector<16xi32>], vector<16xf32>,
      %parallel_loop3A_519 = arith.constant 25 : i32
      %parallel_loop3A_520 = arith.constant 0 : i32
      %parallel_loop3A_521 = arith.index_cast %parallel_loop3A_216 : i32 to index
      %parallel_loop3A_522 = arith.index_cast %parallel_loop3A_519 : i32 to index
      %parallel_loop3A_523 = arith.index_cast %parallel_loop3A_520 : i32 to index
      %parallel_loop3A_524 = arith.index_cast %parallel_loop3A_234 : i32 to index
      %parallel_loop3A_525 = tpu.vector_load %arg7[%parallel_loop3A_521, %parallel_loop3A_522, %parallel_loop3A_523, %parallel_loop3A_524] {strides = array<i32>} : memref<4x41x1x128xf32, #tpu.memory_space<vmem>>, vector<16xf32>,
      tpu.vector_store %arg7[%parallel_loop3A_521, %parallel_loop3A_522, %parallel_loop3A_523, %parallel_loop3A_524], %parallel_loop3A_518 {strides = array<i32>} : memref<4x41x1x128xf32, #tpu.memory_space<vmem>>, vector<16xf32>,
      %parallel_loop3A_526 = arith.constant 26 : i32
      %parallel_loop3A_527 = vector.broadcast %parallel_loop3A_526 : i32 to vector<16xi32>
      %parallel_loop3A_528 = arith.addi %parallel_loop3A_239, %parallel_loop3A_527 : vector<16xi32>
      %parallel_loop3A_529 = tpu.vector_load_idx %arg5[%parallel_loop3A_528] : memref<8241xf32, #tpu.memory_space<vmem>>[vector<16xi32>], vector<16xf32>,
      %parallel_loop3A_530 = arith.constant 26 : i32
      %parallel_loop3A_531 = arith.constant 0 : i32
      %parallel_loop3A_532 = arith.index_cast %parallel_loop3A_216 : i32 to index
      %parallel_loop3A_533 = arith.index_cast %parallel_loop3A_530 : i32 to index
      %parallel_loop3A_534 = arith.index_cast %parallel_loop3A_531 : i32 to index
      %parallel_loop3A_535 = arith.index_cast %parallel_loop3A_234 : i32 to index
      %parallel_loop3A_536 = tpu.vector_load %arg7[%parallel_loop3A_532, %parallel_loop3A_533, %parallel_loop3A_534, %parallel_loop3A_535] {strides = array<i32>} : memref<4x41x1x128xf32, #tpu.memory_space<vmem>>, vector<16xf32>,
      tpu.vector_store %arg7[%parallel_loop3A_532, %parallel_loop3A_533, %parallel_loop3A_534, %parallel_loop3A_535], %parallel_loop3A_529 {strides = array<i32>} : memref<4x41x1x128xf32, #tpu.memory_space<vmem>>, vector<16xf32>,
      %parallel_loop3A_537 = arith.constant 27 : i32
      %parallel_loop3A_538 = vector.broadcast %parallel_loop3A_537 : i32 to vector<16xi32>
      %parallel_loop3A_539 = arith.addi %parallel_loop3A_239, %parallel_loop3A_538 : vector<16xi32>
      %parallel_loop3A_540 = tpu.vector_load_idx %arg5[%parallel_loop3A_539] : memref<8241xf32, #tpu.memory_space<vmem>>[vector<16xi32>], vector<16xf32>,
      %parallel_loop3A_541 = arith.constant 27 : i32
      %parallel_loop3A_542 = arith.constant 0 : i32
      %parallel_loop3A_543 = arith.index_cast %parallel_loop3A_216 : i32 to index
      %parallel_loop3A_544 = arith.index_cast %parallel_loop3A_541 : i32 to index
      %parallel_loop3A_545 = arith.index_cast %parallel_loop3A_542 : i32 to index
      %parallel_loop3A_546 = arith.index_cast %parallel_loop3A_234 : i32 to index
      %parallel_loop3A_547 = tpu.vector_load %arg7[%parallel_loop3A_543, %parallel_loop3A_544, %parallel_loop3A_545, %parallel_loop3A_546] {strides = array<i32>} : memref<4x41x1x128xf32, #tpu.memory_space<vmem>>, vector<16xf32>,
      tpu.vector_store %arg7[%parallel_loop3A_543, %parallel_loop3A_544, %parallel_loop3A_545, %parallel_loop3A_546], %parallel_loop3A_540 {strides = array<i32>} : memref<4x41x1x128xf32, #tpu.memory_space<vmem>>, vector<16xf32>,
      %parallel_loop3A_548 = arith.constant 28 : i32
      %parallel_loop3A_549 = vector.broadcast %parallel_loop3A_548 : i32 to vector<16xi32>
      %parallel_loop3A_550 = arith.addi %parallel_loop3A_239, %parallel_loop3A_549 : vector<16xi32>
      %parallel_loop3A_551 = tpu.vector_load_idx %arg5[%parallel_loop3A_550] : memref<8241xf32, #tpu.memory_space<vmem>>[vector<16xi32>], vector<16xf32>,
      %parallel_loop3A_552 = arith.constant 28 : i32
      %parallel_loop3A_553 = arith.constant 0 : i32
      %parallel_loop3A_554 = arith.index_cast %parallel_loop3A_216 : i32 to index
      %parallel_loop3A_555 = arith.index_cast %parallel_loop3A_552 : i32 to index
      %parallel_loop3A_556 = arith.index_cast %parallel_loop3A_553 : i32 to index
      %parallel_loop3A_557 = arith.index_cast %parallel_loop3A_234 : i32 to index
      %parallel_loop3A_558 = tpu.vector_load %arg7[%parallel_loop3A_554, %parallel_loop3A_555, %parallel_loop3A_556, %parallel_loop3A_557] {strides = array<i32>} : memref<4x41x1x128xf32, #tpu.memory_space<vmem>>, vector<16xf32>,
      tpu.vector_store %arg7[%parallel_loop3A_554, %parallel_loop3A_555, %parallel_loop3A_556, %parallel_loop3A_557], %parallel_loop3A_551 {strides = array<i32>} : memref<4x41x1x128xf32, #tpu.memory_space<vmem>>, vector<16xf32>,
      %parallel_loop3A_559 = arith.constant 29 : i32
      %parallel_loop3A_560 = vector.broadcast %parallel_loop3A_559 : i32 to vector<16xi32>
      %parallel_loop3A_561 = arith.addi %parallel_loop3A_239, %parallel_loop3A_560 : vector<16xi32>
      %parallel_loop3A_562 = tpu.vector_load_idx %arg5[%parallel_loop3A_561] : memref<8241xf32, #tpu.memory_space<vmem>>[vector<16xi32>], vector<16xf32>,
      %parallel_loop3A_563 = arith.constant 29 : i32
      %parallel_loop3A_564 = arith.constant 0 : i32
      %parallel_loop3A_565 = arith.index_cast %parallel_loop3A_216 : i32 to index
      %parallel_loop3A_566 = arith.index_cast %parallel_loop3A_563 : i32 to index
      %parallel_loop3A_567 = arith.index_cast %parallel_loop3A_564 : i32 to index
      %parallel_loop3A_568 = arith.index_cast %parallel_loop3A_234 : i32 to index
      %parallel_loop3A_569 = tpu.vector_load %arg7[%parallel_loop3A_565, %parallel_loop3A_566, %parallel_loop3A_567, %parallel_loop3A_568] {strides = array<i32>} : memref<4x41x1x128xf32, #tpu.memory_space<vmem>>, vector<16xf32>,
      tpu.vector_store %arg7[%parallel_loop3A_565, %parallel_loop3A_566, %parallel_loop3A_567, %parallel_loop3A_568], %parallel_loop3A_562 {strides = array<i32>} : memref<4x41x1x128xf32, #tpu.memory_space<vmem>>, vector<16xf32>,
      %parallel_loop3A_570 = arith.constant 30 : i32
      %parallel_loop3A_571 = vector.broadcast %parallel_loop3A_570 : i32 to vector<16xi32>
      %parallel_loop3A_572 = arith.addi %parallel_loop3A_239, %parallel_loop3A_571 : vector<16xi32>
      %parallel_loop3A_573 = tpu.vector_load_idx %arg5[%parallel_loop3A_572] : memref<8241xf32, #tpu.memory_space<vmem>>[vector<16xi32>], vector<16xf32>,
      %parallel_loop3A_574 = arith.constant 30 : i32
      %parallel_loop3A_575 = arith.constant 0 : i32
      %parallel_loop3A_576 = arith.index_cast %parallel_loop3A_216 : i32 to index
      %parallel_loop3A_577 = arith.index_cast %parallel_loop3A_574 : i32 to index
      %parallel_loop3A_578 = arith.index_cast %parallel_loop3A_575 : i32 to index
      %parallel_loop3A_579 = arith.index_cast %parallel_loop3A_234 : i32 to index
      %parallel_loop3A_580 = tpu.vector_load %arg7[%parallel_loop3A_576, %parallel_loop3A_577, %parallel_loop3A_578, %parallel_loop3A_579] {strides = array<i32>} : memref<4x41x1x128xf32, #tpu.memory_space<vmem>>, vector<16xf32>,
      tpu.vector_store %arg7[%parallel_loop3A_576, %parallel_loop3A_577, %parallel_loop3A_578, %parallel_loop3A_579], %parallel_loop3A_573 {strides = array<i32>} : memref<4x41x1x128xf32, #tpu.memory_space<vmem>>, vector<16xf32>,
      %parallel_loop3A_581 = arith.constant 31 : i32
      %parallel_loop3A_582 = vector.broadcast %parallel_loop3A_581 : i32 to vector<16xi32>
      %parallel_loop3A_583 = arith.addi %parallel_loop3A_239, %parallel_loop3A_582 : vector<16xi32>
      %parallel_loop3A_584 = tpu.vector_load_idx %arg5[%parallel_loop3A_583] : memref<8241xf32, #tpu.memory_space<vmem>>[vector<16xi32>], vector<16xf32>,
      %parallel_loop3A_585 = arith.constant 31 : i32
      %parallel_loop3A_586 = arith.constant 0 : i32
      %parallel_loop3A_587 = arith.index_cast %parallel_loop3A_216 : i32 to index
      %parallel_loop3A_588 = arith.index_cast %parallel_loop3A_585 : i32 to index
      %parallel_loop3A_589 = arith.index_cast %parallel_loop3A_586 : i32 to index
      %parallel_loop3A_590 = arith.index_cast %parallel_loop3A_234 : i32 to index
      %parallel_loop3A_591 = tpu.vector_load %arg7[%parallel_loop3A_587, %parallel_loop3A_588, %parallel_loop3A_589, %parallel_loop3A_590] {strides = array<i32>} : memref<4x41x1x128xf32, #tpu.memory_space<vmem>>, vector<16xf32>,
      tpu.vector_store %arg7[%parallel_loop3A_587, %parallel_loop3A_588, %parallel_loop3A_589, %parallel_loop3A_590], %parallel_loop3A_584 {strides = array<i32>} : memref<4x41x1x128xf32, #tpu.memory_space<vmem>>, vector<16xf32>,
      %parallel_loop3A_592 = arith.constant 32 : i32
      %parallel_loop3A_593 = vector.broadcast %parallel_loop3A_592 : i32 to vector<16xi32>
      %parallel_loop3A_594 = arith.addi %parallel_loop3A_239, %parallel_loop3A_593 : vector<16xi32>
      %parallel_loop3A_595 = tpu.vector_load_idx %arg5[%parallel_loop3A_594] : memref<8241xf32, #tpu.memory_space<vmem>>[vector<16xi32>], vector<16xf32>,
      %parallel_loop3A_596 = arith.constant 32 : i32
      %parallel_loop3A_597 = arith.constant 0 : i32
      %parallel_loop3A_598 = arith.index_cast %parallel_loop3A_216 : i32 to index
      %parallel_loop3A_599 = arith.index_cast %parallel_loop3A_596 : i32 to index
      %parallel_loop3A_600 = arith.index_cast %parallel_loop3A_597 : i32 to index
      %parallel_loop3A_601 = arith.index_cast %parallel_loop3A_234 : i32 to index
      %parallel_loop3A_602 = tpu.vector_load %arg7[%parallel_loop3A_598, %parallel_loop3A_599, %parallel_loop3A_600, %parallel_loop3A_601] {strides = array<i32>} : memref<4x41x1x128xf32, #tpu.memory_space<vmem>>, vector<16xf32>,
      tpu.vector_store %arg7[%parallel_loop3A_598, %parallel_loop3A_599, %parallel_loop3A_600, %parallel_loop3A_601], %parallel_loop3A_595 {strides = array<i32>} : memref<4x41x1x128xf32, #tpu.memory_space<vmem>>, vector<16xf32>,
      %parallel_loop3A_603 = arith.constant 33 : i32
      %parallel_loop3A_604 = vector.broadcast %parallel_loop3A_603 : i32 to vector<16xi32>
      %parallel_loop3A_605 = arith.addi %parallel_loop3A_239, %parallel_loop3A_604 : vector<16xi32>
      %parallel_loop3A_606 = tpu.vector_load_idx %arg5[%parallel_loop3A_605] : memref<8241xf32, #tpu.memory_space<vmem>>[vector<16xi32>], vector<16xf32>,
      %parallel_loop3A_607 = arith.constant 33 : i32
      %parallel_loop3A_608 = arith.constant 0 : i32
      %parallel_loop3A_609 = arith.index_cast %parallel_loop3A_216 : i32 to index
      %parallel_loop3A_610 = arith.index_cast %parallel_loop3A_607 : i32 to index
      %parallel_loop3A_611 = arith.index_cast %parallel_loop3A_608 : i32 to index
      %parallel_loop3A_612 = arith.index_cast %parallel_loop3A_234 : i32 to index
      %parallel_loop3A_613 = tpu.vector_load %arg7[%parallel_loop3A_609, %parallel_loop3A_610, %parallel_loop3A_611, %parallel_loop3A_612] {strides = array<i32>} : memref<4x41x1x128xf32, #tpu.memory_space<vmem>>, vector<16xf32>,
      tpu.vector_store %arg7[%parallel_loop3A_609, %parallel_loop3A_610, %parallel_loop3A_611, %parallel_loop3A_612], %parallel_loop3A_606 {strides = array<i32>} : memref<4x41x1x128xf32, #tpu.memory_space<vmem>>, vector<16xf32>,
      %parallel_loop3A_614 = arith.constant 34 : i32
      %parallel_loop3A_615 = vector.broadcast %parallel_loop3A_614 : i32 to vector<16xi32>
      %parallel_loop3A_616 = arith.addi %parallel_loop3A_239, %parallel_loop3A_615 : vector<16xi32>
      %parallel_loop3A_617 = tpu.vector_load_idx %arg5[%parallel_loop3A_616] : memref<8241xf32, #tpu.memory_space<vmem>>[vector<16xi32>], vector<16xf32>,
      %parallel_loop3A_618 = arith.constant 34 : i32
      %parallel_loop3A_619 = arith.constant 0 : i32
      %parallel_loop3A_620 = arith.index_cast %parallel_loop3A_216 : i32 to index
      %parallel_loop3A_621 = arith.index_cast %parallel_loop3A_618 : i32 to index
      %parallel_loop3A_622 = arith.index_cast %parallel_loop3A_619 : i32 to index
      %parallel_loop3A_623 = arith.index_cast %parallel_loop3A_234 : i32 to index
      %parallel_loop3A_624 = tpu.vector_load %arg7[%parallel_loop3A_620, %parallel_loop3A_621, %parallel_loop3A_622, %parallel_loop3A_623] {strides = array<i32>} : memref<4x41x1x128xf32, #tpu.memory_space<vmem>>, vector<16xf32>,
      tpu.vector_store %arg7[%parallel_loop3A_620, %parallel_loop3A_621, %parallel_loop3A_622, %parallel_loop3A_623], %parallel_loop3A_617 {strides = array<i32>} : memref<4x41x1x128xf32, #tpu.memory_space<vmem>>, vector<16xf32>,
      %parallel_loop3A_625 = arith.constant 35 : i32
      %parallel_loop3A_626 = vector.broadcast %parallel_loop3A_625 : i32 to vector<16xi32>
      %parallel_loop3A_627 = arith.addi %parallel_loop3A_239, %parallel_loop3A_626 : vector<16xi32>
      %parallel_loop3A_628 = tpu.vector_load_idx %arg5[%parallel_loop3A_627] : memref<8241xf32, #tpu.memory_space<vmem>>[vector<16xi32>], vector<16xf32>,
      %parallel_loop3A_629 = arith.constant 35 : i32
      %parallel_loop3A_630 = arith.constant 0 : i32
      %parallel_loop3A_631 = arith.index_cast %parallel_loop3A_216 : i32 to index
      %parallel_loop3A_632 = arith.index_cast %parallel_loop3A_629 : i32 to index
      %parallel_loop3A_633 = arith.index_cast %parallel_loop3A_630 : i32 to index
      %parallel_loop3A_634 = arith.index_cast %parallel_loop3A_234 : i32 to index
      %parallel_loop3A_635 = tpu.vector_load %arg7[%parallel_loop3A_631, %parallel_loop3A_632, %parallel_loop3A_633, %parallel_loop3A_634] {strides = array<i32>} : memref<4x41x1x128xf32, #tpu.memory_space<vmem>>, vector<16xf32>,
      tpu.vector_store %arg7[%parallel_loop3A_631, %parallel_loop3A_632, %parallel_loop3A_633, %parallel_loop3A_634], %parallel_loop3A_628 {strides = array<i32>} : memref<4x41x1x128xf32, #tpu.memory_space<vmem>>, vector<16xf32>,
      %parallel_loop3A_636 = arith.constant 36 : i32
      %parallel_loop3A_637 = vector.broadcast %parallel_loop3A_636 : i32 to vector<16xi32>
      %parallel_loop3A_638 = arith.addi %parallel_loop3A_239, %parallel_loop3A_637 : vector<16xi32>
      %parallel_loop3A_639 = tpu.vector_load_idx %arg5[%parallel_loop3A_638] : memref<8241xf32, #tpu.memory_space<vmem>>[vector<16xi32>], vector<16xf32>,
      %parallel_loop3A_640 = arith.constant 36 : i32
      %parallel_loop3A_641 = arith.constant 0 : i32
      %parallel_loop3A_642 = arith.index_cast %parallel_loop3A_216 : i32 to index
      %parallel_loop3A_643 = arith.index_cast %parallel_loop3A_640 : i32 to index
      %parallel_loop3A_644 = arith.index_cast %parallel_loop3A_641 : i32 to index
      %parallel_loop3A_645 = arith.index_cast %parallel_loop3A_234 : i32 to index
      %parallel_loop3A_646 = tpu.vector_load %arg7[%parallel_loop3A_642, %parallel_loop3A_643, %parallel_loop3A_644, %parallel_loop3A_645] {strides = array<i32>} : memref<4x41x1x128xf32, #tpu.memory_space<vmem>>, vector<16xf32>,
      tpu.vector_store %arg7[%parallel_loop3A_642, %parallel_loop3A_643, %parallel_loop3A_644, %parallel_loop3A_645], %parallel_loop3A_639 {strides = array<i32>} : memref<4x41x1x128xf32, #tpu.memory_space<vmem>>, vector<16xf32>,
      %parallel_loop3A_647 = arith.constant 37 : i32
      %parallel_loop3A_648 = vector.broadcast %parallel_loop3A_647 : i32 to vector<16xi32>
      %parallel_loop3A_649 = arith.addi %parallel_loop3A_239, %parallel_loop3A_648 : vector<16xi32>
      %parallel_loop3A_650 = tpu.vector_load_idx %arg5[%parallel_loop3A_649] : memref<8241xf32, #tpu.memory_space<vmem>>[vector<16xi32>], vector<16xf32>,
      %parallel_loop3A_651 = arith.constant 37 : i32
      %parallel_loop3A_652 = arith.constant 0 : i32
      %parallel_loop3A_653 = arith.index_cast %parallel_loop3A_216 : i32 to index
      %parallel_loop3A_654 = arith.index_cast %parallel_loop3A_651 : i32 to index
      %parallel_loop3A_655 = arith.index_cast %parallel_loop3A_652 : i32 to index
      %parallel_loop3A_656 = arith.index_cast %parallel_loop3A_234 : i32 to index
      %parallel_loop3A_657 = tpu.vector_load %arg7[%parallel_loop3A_653, %parallel_loop3A_654, %parallel_loop3A_655, %parallel_loop3A_656] {strides = array<i32>} : memref<4x41x1x128xf32, #tpu.memory_space<vmem>>, vector<16xf32>,
      tpu.vector_store %arg7[%parallel_loop3A_653, %parallel_loop3A_654, %parallel_loop3A_655, %parallel_loop3A_656], %parallel_loop3A_650 {strides = array<i32>} : memref<4x41x1x128xf32, #tpu.memory_space<vmem>>, vector<16xf32>,
      %parallel_loop3A_658 = arith.constant 38 : i32
      %parallel_loop3A_659 = vector.broadcast %parallel_loop3A_658 : i32 to vector<16xi32>
      %parallel_loop3A_660 = arith.addi %parallel_loop3A_239, %parallel_loop3A_659 : vector<16xi32>
      %parallel_loop3A_661 = tpu.vector_load_idx %arg5[%parallel_loop3A_660] : memref<8241xf32, #tpu.memory_space<vmem>>[vector<16xi32>], vector<16xf32>,
      %parallel_loop3A_662 = arith.constant 38 : i32
      %parallel_loop3A_663 = arith.constant 0 : i32
      %parallel_loop3A_664 = arith.index_cast %parallel_loop3A_216 : i32 to index
      %parallel_loop3A_665 = arith.index_cast %parallel_loop3A_662 : i32 to index
      %parallel_loop3A_666 = arith.index_cast %parallel_loop3A_663 : i32 to index
      %parallel_loop3A_667 = arith.index_cast %parallel_loop3A_234 : i32 to index
      %parallel_loop3A_668 = tpu.vector_load %arg7[%parallel_loop3A_664, %parallel_loop3A_665, %parallel_loop3A_666, %parallel_loop3A_667] {strides = array<i32>} : memref<4x41x1x128xf32, #tpu.memory_space<vmem>>, vector<16xf32>,
      tpu.vector_store %arg7[%parallel_loop3A_664, %parallel_loop3A_665, %parallel_loop3A_666, %parallel_loop3A_667], %parallel_loop3A_661 {strides = array<i32>} : memref<4x41x1x128xf32, #tpu.memory_space<vmem>>, vector<16xf32>,
      %parallel_loop3A_669 = arith.constant 39 : i32
      %parallel_loop3A_670 = vector.broadcast %parallel_loop3A_669 : i32 to vector<16xi32>
      %parallel_loop3A_671 = arith.addi %parallel_loop3A_239, %parallel_loop3A_670 : vector<16xi32>
      %parallel_loop3A_672 = tpu.vector_load_idx %arg5[%parallel_loop3A_671] : memref<8241xf32, #tpu.memory_space<vmem>>[vector<16xi32>], vector<16xf32>,
      %parallel_loop3A_673 = arith.constant 39 : i32
      %parallel_loop3A_674 = arith.constant 0 : i32
      %parallel_loop3A_675 = arith.index_cast %parallel_loop3A_216 : i32 to index
      %parallel_loop3A_676 = arith.index_cast %parallel_loop3A_673 : i32 to index
      %parallel_loop3A_677 = arith.index_cast %parallel_loop3A_674 : i32 to index
      %parallel_loop3A_678 = arith.index_cast %parallel_loop3A_234 : i32 to index
      %parallel_loop3A_679 = tpu.vector_load %arg7[%parallel_loop3A_675, %parallel_loop3A_676, %parallel_loop3A_677, %parallel_loop3A_678] {strides = array<i32>} : memref<4x41x1x128xf32, #tpu.memory_space<vmem>>, vector<16xf32>,
      tpu.vector_store %arg7[%parallel_loop3A_675, %parallel_loop3A_676, %parallel_loop3A_677, %parallel_loop3A_678], %parallel_loop3A_672 {strides = array<i32>} : memref<4x41x1x128xf32, #tpu.memory_space<vmem>>, vector<16xf32>,
      %parallel_loop3A_680 = arith.constant 40 : i32
      %parallel_loop3A_681 = vector.broadcast %parallel_loop3A_680 : i32 to vector<16xi32>
      %parallel_loop3A_682 = arith.addi %parallel_loop3A_239, %parallel_loop3A_681 : vector<16xi32>
      %parallel_loop3A_683 = tpu.vector_load_idx %arg5[%parallel_loop3A_682] : memref<8241xf32, #tpu.memory_space<vmem>>[vector<16xi32>], vector<16xf32>,
      %parallel_loop3A_684 = arith.constant 40 : i32
      %parallel_loop3A_685 = arith.constant 0 : i32
      %parallel_loop3A_686 = arith.index_cast %parallel_loop3A_216 : i32 to index
      %parallel_loop3A_687 = arith.index_cast %parallel_loop3A_684 : i32 to index
      %parallel_loop3A_688 = arith.index_cast %parallel_loop3A_685 : i32 to index
      %parallel_loop3A_689 = arith.index_cast %parallel_loop3A_234 : i32 to index
      %parallel_loop3A_690 = tpu.vector_load %arg7[%parallel_loop3A_686, %parallel_loop3A_687, %parallel_loop3A_688, %parallel_loop3A_689] {strides = array<i32>} : memref<4x41x1x128xf32, #tpu.memory_space<vmem>>, vector<16xf32>,
      tpu.vector_store %arg7[%parallel_loop3A_686, %parallel_loop3A_687, %parallel_loop3A_688, %parallel_loop3A_689], %parallel_loop3A_683 {strides = array<i32>} : memref<4x41x1x128xf32, #tpu.memory_space<vmem>>, vector<16xf32>,
    } {sc.loop_unroll_factor = 2 : i64, sc.parallel_access}
    %mul3A_35 = arith.constant 16 : i32
    %mul3A_36 = arith.muli %select_n3A_30, %mul3A_35 : i32
    %add3A_37 = arith.constant 0 : i32
    %add3A_38 = arith.addi %mul3A_36, %add3A_37 : i32
    %add3A_39 = arith.addi %add3A_38, %select_n3A : i32
    %dma_start3A = arith.constant 0 : i32
    %dma_start3A_40 = arith.constant 0 : i32
    %dma_start3A_41 = arith.constant 0 : i32
    %dma_start3A_42 = arith.constant 0 : i32
    %dma_start3A_43 = tpu.memref_slice %arg7[%dma_start3A, %dma_start3A_40, %dma_start3A_41, %dma_start3A_42] : memref<4x41x1x128xf32, #tpu.memory_space<vmem>> -> memref<1x41x1x128xf32, #tpu.memory_space<vmem>>
    %dma_start3A_44 = tpu.memref_squeeze %dma_start3A_43 : memref<1x41x1x128xf32, #tpu.memory_space<vmem>> -> memref<41x1x128xf32, #tpu.memory_space<vmem>>
    %dma_start3A_45 = arith.constant 0 : i32
    %dma_start3A_46 = arith.constant 0 : i32
    %dma_start3A_47 = tpu.memref_slice %arg4[%dma_start3A_45, %add3A_39, %dma_start3A_46] : memref<41x128x128xf32, #tpu.memory_space<hbm>> -> memref<41x1x128xf32, #tpu.memory_space<hbm>>
    %dma_start3A_48 = arith.constant 0 : i32
    %dma_start3A_49 = arith.constant 0 : i32
    %dma_start3A_50 = tpu.memref_slice %arg4[%dma_start3A_48, %add3A_39, %dma_start3A_49] : memref<41x128x128xf32, #tpu.memory_space<hbm>> -> memref<41x1x128xf32, #tpu.memory_space<hbm>>
    %dma_start3A_51 = arith.constant 0 : i32
    %dma_start3A_52 = arith.constant 0 : i32
    %dma_start3A_53 = arith.constant 0 : i32
    %dma_start3A_54 = tpu.memref_slice %arg7[%dma_start3A, %dma_start3A_51, %dma_start3A_52, %dma_start3A_53] : memref<4x41x1x128xf32, #tpu.memory_space<vmem>> -> memref<1x41x1x128xf32, #tpu.memory_space<vmem>>
    %dma_start3A_55 = tpu.memref_squeeze %dma_start3A_54 : memref<1x41x1x128xf32, #tpu.memory_space<vmem>> -> memref<41x1x128xf32, #tpu.memory_space<vmem>>
    tpu.enqueue_dma source(%dma_start3A_55 : memref<41x1x128xf32, #tpu.memory_space<vmem>>) target(%dma_start3A_50 : memref<41x1x128xf32, #tpu.memory_space<hbm>>) target_semaphore(%arg8 : memref<!tpu.dma_semaphore, #tpu.memory_space<semaphore_mem>>)
    %mul3A_56 = arith.constant 16 : i32
    %mul3A_57 = arith.muli %select_n3A_30, %mul3A_56 : i32
    %add3A_58 = arith.constant 4 : i32
    %add3A_59 = arith.addi %mul3A_57, %add3A_58 : i32
    %add3A_60 = arith.addi %add3A_59, %select_n3A : i32
    %dma_start3A_61 = arith.constant 1 : i32
    %dma_start3A_62 = arith.constant 0 : i32
    %dma_start3A_63 = arith.constant 0 : i32
    %dma_start3A_64 = arith.constant 0 : i32
    %dma_start3A_65 = tpu.memref_slice %arg7[%dma_start3A_61, %dma_start3A_62, %dma_start3A_63, %dma_start3A_64] : memref<4x41x1x128xf32, #tpu.memory_space<vmem>> -> memref<1x41x1x128xf32, #tpu.memory_space<vmem>>
    %dma_start3A_66 = tpu.memref_squeeze %dma_start3A_65 : memref<1x41x1x128xf32, #tpu.memory_space<vmem>> -> memref<41x1x128xf32, #tpu.memory_space<vmem>>
    %dma_start3A_67 = arith.constant 0 : i32
    %dma_start3A_68 = arith.constant 0 : i32
    %dma_start3A_69 = tpu.memref_slice %arg4[%dma_start3A_67, %add3A_60, %dma_start3A_68] : memref<41x128x128xf32, #tpu.memory_space<hbm>> -> memref<41x1x128xf32, #tpu.memory_space<hbm>>
    %dma_start3A_70 = arith.constant 0 : i32
    %dma_start3A_71 = arith.constant 0 : i32
    %dma_start3A_72 = tpu.memref_slice %arg4[%dma_start3A_70, %add3A_60, %dma_start3A_71] : memref<41x128x128xf32, #tpu.memory_space<hbm>> -> memref<41x1x128xf32, #tpu.memory_space<hbm>>
    %dma_start3A_73 = arith.constant 0 : i32
    %dma_start3A_74 = arith.constant 0 : i32
    %dma_start3A_75 = arith.constant 0 : i32
    %dma_start3A_76 = tpu.memref_slice %arg7[%dma_start3A_61, %dma_start3A_73, %dma_start3A_74, %dma_start3A_75] : memref<4x41x1x128xf32, #tpu.memory_space<vmem>> -> memref<1x41x1x128xf32, #tpu.memory_space<vmem>>
    %dma_start3A_77 = tpu.memref_squeeze %dma_start3A_76 : memref<1x41x1x128xf32, #tpu.memory_space<vmem>> -> memref<41x1x128xf32, #tpu.memory_space<vmem>>
    tpu.enqueue_dma source(%dma_start3A_77 : memref<41x1x128xf32, #tpu.memory_space<vmem>>) target(%dma_start3A_72 : memref<41x1x128xf32, #tpu.memory_space<hbm>>) target_semaphore(%arg8 : memref<!tpu.dma_semaphore, #tpu.memory_space<semaphore_mem>>)
    %mul3A_78 = arith.constant 16 : i32
    %mul3A_79 = arith.muli %select_n3A_30, %mul3A_78 : i32
    %add3A_80 = arith.constant 8 : i32
    %add3A_81 = arith.addi %mul3A_79, %add3A_80 : i32
    %add3A_82 = arith.addi %add3A_81, %select_n3A : i32
    %dma_start3A_83 = arith.constant 2 : i32
    %dma_start3A_84 = arith.constant 0 : i32
    %dma_start3A_85 = arith.constant 0 : i32
    %dma_start3A_86 = arith.constant 0 : i32
    %dma_start3A_87 = tpu.memref_slice %arg7[%dma_start3A_83, %dma_start3A_84, %dma_start3A_85, %dma_start3A_86] : memref<4x41x1x128xf32, #tpu.memory_space<vmem>> -> memref<1x41x1x128xf32, #tpu.memory_space<vmem>>
    %dma_start3A_88 = tpu.memref_squeeze %dma_start3A_87 : memref<1x41x1x128xf32, #tpu.memory_space<vmem>> -> memref<41x1x128xf32, #tpu.memory_space<vmem>>
    %dma_start3A_89 = arith.constant 0 : i32
    %dma_start3A_90 = arith.constant 0 : i32
    %dma_start3A_91 = tpu.memref_slice %arg4[%dma_start3A_89, %add3A_82, %dma_start3A_90] : memref<41x128x128xf32, #tpu.memory_space<hbm>> -> memref<41x1x128xf32, #tpu.memory_space<hbm>>
    %dma_start3A_92 = arith.constant 0 : i32
    %dma_start3A_93 = arith.constant 0 : i32
    %dma_start3A_94 = tpu.memref_slice %arg4[%dma_start3A_92, %add3A_82, %dma_start3A_93] : memref<41x128x128xf32, #tpu.memory_space<hbm>> -> memref<41x1x128xf32, #tpu.memory_space<hbm>>
    %dma_start3A_95 = arith.constant 0 : i32
    %dma_start3A_96 = arith.constant 0 : i32
    %dma_start3A_97 = arith.constant 0 : i32
    %dma_start3A_98 = tpu.memref_slice %arg7[%dma_start3A_83, %dma_start3A_95, %dma_start3A_96, %dma_start3A_97] : memref<4x41x1x128xf32, #tpu.memory_space<vmem>> -> memref<1x41x1x128xf32, #tpu.memory_space<vmem>>
    %dma_start3A_99 = tpu.memref_squeeze %dma_start3A_98 : memref<1x41x1x128xf32, #tpu.memory_space<vmem>> -> memref<41x1x128xf32, #tpu.memory_space<vmem>>
    tpu.enqueue_dma source(%dma_start3A_99 : memref<41x1x128xf32, #tpu.memory_space<vmem>>) target(%dma_start3A_94 : memref<41x1x128xf32, #tpu.memory_space<hbm>>) target_semaphore(%arg8 : memref<!tpu.dma_semaphore, #tpu.memory_space<semaphore_mem>>)
    %mul3A_100 = arith.constant 16 : i32
    %mul3A_101 = arith.muli %select_n3A_30, %mul3A_100 : i32
    %add3A_102 = arith.constant 12 : i32
    %add3A_103 = arith.addi %mul3A_101, %add3A_102 : i32
    %add3A_104 = arith.addi %add3A_103, %select_n3A : i32
    %dma_start3A_105 = arith.constant 3 : i32
    %dma_start3A_106 = arith.constant 0 : i32
    %dma_start3A_107 = arith.constant 0 : i32
    %dma_start3A_108 = arith.constant 0 : i32
    %dma_start3A_109 = tpu.memref_slice %arg7[%dma_start3A_105, %dma_start3A_106, %dma_start3A_107, %dma_start3A_108] : memref<4x41x1x128xf32, #tpu.memory_space<vmem>> -> memref<1x41x1x128xf32, #tpu.memory_space<vmem>>
    %dma_start3A_110 = tpu.memref_squeeze %dma_start3A_109 : memref<1x41x1x128xf32, #tpu.memory_space<vmem>> -> memref<41x1x128xf32, #tpu.memory_space<vmem>>
    %dma_start3A_111 = arith.constant 0 : i32
    %dma_start3A_112 = arith.constant 0 : i32
    %dma_start3A_113 = tpu.memref_slice %arg4[%dma_start3A_111, %add3A_104, %dma_start3A_112] : memref<41x128x128xf32, #tpu.memory_space<hbm>> -> memref<41x1x128xf32, #tpu.memory_space<hbm>>
    %dma_start3A_114 = arith.constant 0 : i32
    %dma_start3A_115 = arith.constant 0 : i32
    %dma_start3A_116 = tpu.memref_slice %arg4[%dma_start3A_114, %add3A_104, %dma_start3A_115] : memref<41x128x128xf32, #tpu.memory_space<hbm>> -> memref<41x1x128xf32, #tpu.memory_space<hbm>>
    %dma_start3A_117 = arith.constant 0 : i32
    %dma_start3A_118 = arith.constant 0 : i32
    %dma_start3A_119 = arith.constant 0 : i32
    %dma_start3A_120 = tpu.memref_slice %arg7[%dma_start3A_105, %dma_start3A_117, %dma_start3A_118, %dma_start3A_119] : memref<4x41x1x128xf32, #tpu.memory_space<vmem>> -> memref<1x41x1x128xf32, #tpu.memory_space<vmem>>
    %dma_start3A_121 = tpu.memref_squeeze %dma_start3A_120 : memref<1x41x1x128xf32, #tpu.memory_space<vmem>> -> memref<41x1x128xf32, #tpu.memory_space<vmem>>
    tpu.enqueue_dma source(%dma_start3A_121 : memref<41x1x128xf32, #tpu.memory_space<vmem>>) target(%dma_start3A_116 : memref<41x1x128xf32, #tpu.memory_space<hbm>>) target_semaphore(%arg8 : memref<!tpu.dma_semaphore, #tpu.memory_space<semaphore_mem>>)
    %dma_wait3A = arith.constant 0 : i32
    %dma_wait3A_122 = arith.constant 0 : i32
    %dma_wait3A_123 = arith.constant 0 : i32
    %dma_wait3A_124 = arith.constant 0 : i32
    %dma_wait3A_125 = tpu.memref_slice %arg7[%dma_wait3A, %dma_wait3A_122, %dma_wait3A_123, %dma_wait3A_124] : memref<4x41x1x128xf32, #tpu.memory_space<vmem>> -> memref<1x41x1x128xf32, #tpu.memory_space<vmem>>
    %dma_wait3A_126 = tpu.memref_squeeze %dma_wait3A_125 : memref<1x41x1x128xf32, #tpu.memory_space<vmem>> -> memref<41x1x128xf32, #tpu.memory_space<vmem>>
    %dma_wait3A_127 = arith.constant 0 : i32
    %dma_wait3A_128 = arith.constant 0 : i32
    %dma_wait3A_129 = tpu.memref_slice %arg4[%dma_wait3A_127, %add3A_39, %dma_wait3A_128] : memref<41x128x128xf32, #tpu.memory_space<hbm>> -> memref<41x1x128xf32, #tpu.memory_space<hbm>>
    %dma_wait3A_130 = arith.constant 0 : i32
    %dma_wait3A_131 = arith.constant 0 : i32
    %dma_wait3A_132 = tpu.memref_slice %arg4[%dma_wait3A_130, %add3A_39, %dma_wait3A_131] : memref<41x128x128xf32, #tpu.memory_space<hbm>> -> memref<41x1x128xf32, #tpu.memory_space<hbm>>
    %dma_wait3A_133 = arith.constant 0 : i32
    %dma_wait3A_134 = arith.constant 0 : i32
    %dma_wait3A_135 = arith.constant 0 : i32
    %dma_wait3A_136 = tpu.memref_slice %arg7[%dma_wait3A, %dma_wait3A_133, %dma_wait3A_134, %dma_wait3A_135] : memref<4x41x1x128xf32, #tpu.memory_space<vmem>> -> memref<1x41x1x128xf32, #tpu.memory_space<vmem>>
    %dma_wait3A_137 = tpu.memref_squeeze %dma_wait3A_136 : memref<1x41x1x128xf32, #tpu.memory_space<vmem>> -> memref<41x1x128xf32, #tpu.memory_space<vmem>>
    tpu.wait_dma2 semaphore(%arg8 : memref<!tpu.dma_semaphore, #tpu.memory_space<semaphore_mem>>) src(%dma_wait3A_137 : memref<41x1x128xf32, #tpu.memory_space<vmem>>) dst(%dma_wait3A_132 : memref<41x1x128xf32, #tpu.memory_space<hbm>>)
    %dma_wait3A_138 = arith.constant 1 : i32
    %dma_wait3A_139 = arith.constant 0 : i32
    %dma_wait3A_140 = arith.constant 0 : i32
    %dma_wait3A_141 = arith.constant 0 : i32
    %dma_wait3A_142 = tpu.memref_slice %arg7[%dma_wait3A_138, %dma_wait3A_139, %dma_wait3A_140, %dma_wait3A_141] : memref<4x41x1x128xf32, #tpu.memory_space<vmem>> -> memref<1x41x1x128xf32, #tpu.memory_space<vmem>>
    %dma_wait3A_143 = tpu.memref_squeeze %dma_wait3A_142 : memref<1x41x1x128xf32, #tpu.memory_space<vmem>> -> memref<41x1x128xf32, #tpu.memory_space<vmem>>
    %dma_wait3A_144 = arith.constant 0 : i32
    %dma_wait3A_145 = arith.constant 0 : i32
    %dma_wait3A_146 = tpu.memref_slice %arg4[%dma_wait3A_144, %add3A_60, %dma_wait3A_145] : memref<41x128x128xf32, #tpu.memory_space<hbm>> -> memref<41x1x128xf32, #tpu.memory_space<hbm>>
    %dma_wait3A_147 = arith.constant 0 : i32
    %dma_wait3A_148 = arith.constant 0 : i32
    %dma_wait3A_149 = tpu.memref_slice %arg4[%dma_wait3A_147, %add3A_60, %dma_wait3A_148] : memref<41x128x128xf32, #tpu.memory_space<hbm>> -> memref<41x1x128xf32, #tpu.memory_space<hbm>>
    %dma_wait3A_150 = arith.constant 0 : i32
    %dma_wait3A_151 = arith.constant 0 : i32
    %dma_wait3A_152 = arith.constant 0 : i32
    %dma_wait3A_153 = tpu.memref_slice %arg7[%dma_wait3A_138, %dma_wait3A_150, %dma_wait3A_151, %dma_wait3A_152] : memref<4x41x1x128xf32, #tpu.memory_space<vmem>> -> memref<1x41x1x128xf32, #tpu.memory_space<vmem>>
    %dma_wait3A_154 = tpu.memref_squeeze %dma_wait3A_153 : memref<1x41x1x128xf32, #tpu.memory_space<vmem>> -> memref<41x1x128xf32, #tpu.memory_space<vmem>>
    tpu.wait_dma2 semaphore(%arg8 : memref<!tpu.dma_semaphore, #tpu.memory_space<semaphore_mem>>) src(%dma_wait3A_154 : memref<41x1x128xf32, #tpu.memory_space<vmem>>) dst(%dma_wait3A_149 : memref<41x1x128xf32, #tpu.memory_space<hbm>>)
    %dma_wait3A_155 = arith.constant 2 : i32
    %dma_wait3A_156 = arith.constant 0 : i32
    %dma_wait3A_157 = arith.constant 0 : i32
    %dma_wait3A_158 = arith.constant 0 : i32
    %dma_wait3A_159 = tpu.memref_slice %arg7[%dma_wait3A_155, %dma_wait3A_156, %dma_wait3A_157, %dma_wait3A_158] : memref<4x41x1x128xf32, #tpu.memory_space<vmem>> -> memref<1x41x1x128xf32, #tpu.memory_space<vmem>>
    %dma_wait3A_160 = tpu.memref_squeeze %dma_wait3A_159 : memref<1x41x1x128xf32, #tpu.memory_space<vmem>> -> memref<41x1x128xf32, #tpu.memory_space<vmem>>
    %dma_wait3A_161 = arith.constant 0 : i32
    %dma_wait3A_162 = arith.constant 0 : i32
    %dma_wait3A_163 = tpu.memref_slice %arg4[%dma_wait3A_161, %add3A_82, %dma_wait3A_162] : memref<41x128x128xf32, #tpu.memory_space<hbm>> -> memref<41x1x128xf32, #tpu.memory_space<hbm>>
    %dma_wait3A_164 = arith.constant 0 : i32
    %dma_wait3A_165 = arith.constant 0 : i32
    %dma_wait3A_166 = tpu.memref_slice %arg4[%dma_wait3A_164, %add3A_82, %dma_wait3A_165] : memref<41x128x128xf32, #tpu.memory_space<hbm>> -> memref<41x1x128xf32, #tpu.memory_space<hbm>>
    %dma_wait3A_167 = arith.constant 0 : i32
    %dma_wait3A_168 = arith.constant 0 : i32
    %dma_wait3A_169 = arith.constant 0 : i32
    %dma_wait3A_170 = tpu.memref_slice %arg7[%dma_wait3A_155, %dma_wait3A_167, %dma_wait3A_168, %dma_wait3A_169] : memref<4x41x1x128xf32, #tpu.memory_space<vmem>> -> memref<1x41x1x128xf32, #tpu.memory_space<vmem>>
    %dma_wait3A_171 = tpu.memref_squeeze %dma_wait3A_170 : memref<1x41x1x128xf32, #tpu.memory_space<vmem>> -> memref<41x1x128xf32, #tpu.memory_space<vmem>>
    tpu.wait_dma2 semaphore(%arg8 : memref<!tpu.dma_semaphore, #tpu.memory_space<semaphore_mem>>) src(%dma_wait3A_171 : memref<41x1x128xf32, #tpu.memory_space<vmem>>) dst(%dma_wait3A_166 : memref<41x1x128xf32, #tpu.memory_space<hbm>>)
    %dma_wait3A_172 = arith.constant 3 : i32
    %dma_wait3A_173 = arith.constant 0 : i32
    %dma_wait3A_174 = arith.constant 0 : i32
    %dma_wait3A_175 = arith.constant 0 : i32
    %dma_wait3A_176 = tpu.memref_slice %arg7[%dma_wait3A_172, %dma_wait3A_173, %dma_wait3A_174, %dma_wait3A_175] : memref<4x41x1x128xf32, #tpu.memory_space<vmem>> -> memref<1x41x1x128xf32, #tpu.memory_space<vmem>>
    %dma_wait3A_177 = tpu.memref_squeeze %dma_wait3A_176 : memref<1x41x1x128xf32, #tpu.memory_space<vmem>> -> memref<41x1x128xf32, #tpu.memory_space<vmem>>
    %dma_wait3A_178 = arith.constant 0 : i32
    %dma_wait3A_179 = arith.constant 0 : i32
    %dma_wait3A_180 = tpu.memref_slice %arg4[%dma_wait3A_178, %add3A_104, %dma_wait3A_179] : memref<41x128x128xf32, #tpu.memory_space<hbm>> -> memref<41x1x128xf32, #tpu.memory_space<hbm>>
    %dma_wait3A_181 = arith.constant 0 : i32
    %dma_wait3A_182 = arith.constant 0 : i32
    %dma_wait3A_183 = tpu.memref_slice %arg4[%dma_wait3A_181, %add3A_104, %dma_wait3A_182] : memref<41x128x128xf32, #tpu.memory_space<hbm>> -> memref<41x1x128xf32, #tpu.memory_space<hbm>>
    %dma_wait3A_184 = arith.constant 0 : i32
    %dma_wait3A_185 = arith.constant 0 : i32
    %dma_wait3A_186 = arith.constant 0 : i32
    %dma_wait3A_187 = tpu.memref_slice %arg7[%dma_wait3A_172, %dma_wait3A_184, %dma_wait3A_185, %dma_wait3A_186] : memref<4x41x1x128xf32, #tpu.memory_space<vmem>> -> memref<1x41x1x128xf32, #tpu.memory_space<vmem>>
    %dma_wait3A_188 = tpu.memref_squeeze %dma_wait3A_187 : memref<1x41x1x128xf32, #tpu.memory_space<vmem>> -> memref<41x1x128xf32, #tpu.memory_space<vmem>>
    tpu.wait_dma2 semaphore(%arg8 : memref<!tpu.dma_semaphore, #tpu.memory_space<semaphore_mem>>) src(%dma_wait3A_188 : memref<41x1x128xf32, #tpu.memory_space<vmem>>) dst(%dma_wait3A_183 : memref<41x1x128xf32, #tpu.memory_space<hbm>>)
    return
  }
}

module attributes {stable_mosaic.version = 14 : i64} {
  func.func @_proj_body(%arg0: memref<201x1024xf32, #tpu.memory_space<vmem>>, %arg1: memref<41x1024xf32, #tpu.memory_space<vmem>>, %arg2: memref<1x41xf32, #tpu.memory_space<vmem>>, %arg3: memref<201x41xf32, #tpu.memory_space<vmem>>) attributes {dimension_semantics = [], scalar_prefetch = 0 : i64, scratch_operands = 0 : i64, tpu.core_type = #tpu.core_type<tc>} {
    %get3A = arith.constant 0 : index
    %get3A_0 = arith.constant 0 : index
    %get3A_1 = vector.load %arg0[%get3A, %get3A_0] : memref<201x1024xf32, #tpu.memory_space<vmem>>, vector<201x1024xf32>
    %get3A_2 = arith.constant 0 : index
    %get3A_3 = arith.constant 0 : index
    %get3A_4 = vector.load %arg1[%get3A_2, %get3A_3] : memref<41x1024xf32, #tpu.memory_space<vmem>>, vector<41x1024xf32>
    %dot_general3A = arith.constant dense<0.000000e+00> : vector<201x41xf32>
    %dot_general3A_5 = tpu.matmul %get3A_1, %get3A_4, %dot_general3A {dimension_numbers = #tpu.dot_dimension_numbers<[1], [1], [0], [0], [0, 0, 1, 0], [], []>, transpose_lhs_hint = false} : vector<201x1024xf32>, vector<41x1024xf32>, vector<201x41xf32> -> vector<201x41xf32>
    %get3A_6 = arith.constant 0 : index
    %get3A_7 = arith.constant 0 : index
    %get3A_8 = vector.load %arg2[%get3A_6, %get3A_7] : memref<1x41xf32, #tpu.memory_space<vmem>>, vector<1x41xf32>
    %add3A = vector.broadcast %get3A_8 : vector<1x41xf32> to vector<201x41xf32>
    %add3A_9 = arith.addf %dot_general3A_5, %add3A : vector<201x41xf32>
    %swap3A = arith.constant 0 : index
    %swap3A_10 = arith.constant 0 : index
    %swap3A_11 = vector.load %arg3[%swap3A, %swap3A_10] : memref<201x41xf32, #tpu.memory_space<vmem>>, vector<201x41xf32>
    tpu.vector_store %arg3[%swap3A, %swap3A_10], %add3A_9 {strides = array<i32>} : memref<201x41xf32, #tpu.memory_space<vmem>>, vector<201x41xf32>,
    return
  }
}

</mosaic_0001>

<sc_bundles>
// kernel: kernel.4.cloned.1.call-start
scs
__scs_entry_jumppad:
0x0: {  	(pc) =	sbr.rel $0x88, $3  }
0x1: {  	(tag) =	ssettag $0x0;
	lr =	simm.s32 $0x1  }
0x2: {  	[smem:$0x3F9D] =	sst lr;
	_ =	strace $0xD0000000  }
0x3: {  	_ = 	snop  }
0x4: {  	_ = 	snop  }
0x5: {  	_ = 	snop  }
0x6: {  	_ = 	snop  }
0x7: {  	_ = 	snop  }
__scs_overlays_trampoline_lowered:
0x8: {  	[smem:$0x3FAC] =	sst s0  }
0x9: {  	[smem:$0x3FAD] =	sst s1  }
0xa: {  	[smem:$0x3FAE] =	sst s2  }
0xb: {  	[smem:$0x3FAF] =	sst s3  }
0xc: {  	[smem:$0x3FB0] =	sst s4  }
0xd: {  	[smem:$0x3FB1] =	sst s5  }
0xe: {  	[smem:$0x3FB2] =	sst s6  }
0xf: {  	[smem:$0x3FB3] =	sst s7  }
0x10: {  	[smem:$0x3FB4] =	sst s8  }
0x11: {  	[smem:$0x3FB5] =	sst s9;
	s0 =	simm.s32 @!p0 $0x0  }
0x12: {  	s1 =	sld [smem:$0x3F9B];
	s0 =	simm.s32 @p0 $0x1  }
0x13: {  	[smem:$0x3FB6] =	sst s0;
	s0 =	simm.s32 @!p1 $0x0  }
0x14: {  	s2 =	sld [smem:$0x3F9A];
	s0 =	simm.s32 @p1 $0x1  }
0x15: {  	[smem:$0x3FB7] =	sst s0;
	s0 =	simm.s32 @!p2 $0x0  }
0x16: {  	s3 =	sld [smem:$0x3FDB];
	s0 =	simm.s32 @p2 $0x1  }
0x17: {  	s4 =	simm.s32 $0x1BF5;
	[smem:$0x3FB9] =	sst s0  }
0x18: {  	s0 =	sld [smem:$0x3F9C];
	_ =	swait.ge [sflag:s4], $0x0  }
0x19: {  	s7 =	sld [smem:$0x3F9D]  }
0x1a: {  	s8 =	sadd.s32 $0xFFFFE003, lr  }
0x1b: {  	s9 =	sadd.s32 $0xFFFFFEF7, lr;
	s5 =	simm.s32 $0xFFFFFFFF;
	p2 =	slt.u32 s8, $0xFFFFF086  }
0x1c: {  	p1 =	slt.u32 s9, $0xF7A;
	s5 =	simm.s32 @!p2 $0x0  }
0x1d: {  	s5 =	simm.s32 @p1 $0x1;
	p0 =	seq.s32 s7, s2  }
0x1e: {  	s7 =	smul.u32 @!p0 $0xF7A, s2;
	p2 =	seq.s32 @!p0 s5, $0x0  }
0x1f: {  	s9 =	smul.u32 $0xF7A, s1;
	s8 =	simm.s32 @!p0 $0x1BF5;
	p2 =	por !p2, p0  }
0x20: {  	[sflag:s8] =	ssyncset.s32 @!p0 $0xFFFFF086;
	s6 =	sadd.s32 @!p0 s3, s7;
	s7 =	simm.s32 @!p0 $0x108  }
0x21: {  	s3 =	sadd.s32 s3, s9;
	s6 =	sadd.s32 @!p0 $0x88, s6;
	s7 =	simm.s32 @p2 $0x1082  }
0x22: {  	[simem:s7], [sflag:s8] =	dma.local @!p0 [hbm:s6], $0xF7A  }
0x23: {  	s9 =	sor.u32 $0xD0000000, s2;
	s6 =	simm.s32 $0x108;
	_ =	swait.ge @!p0 [sflag:s8], $0x0  }
0x24: {  	s3 =	sadd.s32 $0x88, s3;
	s6 =	simm.s32 @!p1 $0x1082;
	[sflag:s4] =	ssyncset.s32 $0xFFFFF086  }
0x25: {  	[simem:s6], [sflag:s4] =	dma.local [hbm:s3], $0xF7A  }
0x26: {  	[smem:$0x3F9D] =	sst s1;
	(tag) =	ssettag s2;
	_ =	strace s9  }
0x27: {  	s1 =	sld [smem:$0x3FAD]  }
0x28: {  	s2 =	sld [smem:$0x3FAE]  }
0x29: {  	s4 =	sld [smem:$0x3FB0]  }
0x2a: {  	p0 =	seq.s32 s5, $0x0;
	s5 =	sld [smem:$0x3FB1]  }
0x2b: {  	s6 =	sld [smem:$0x3FB2]  }
0x2c: {  	s7 =	sld [smem:$0x3FB3]  }
0x2d: {  	s3 =	simm.s32 $0x108;
	s8 =	sld [smem:$0x3FB4]  }
0x2e: {  	s3 =	simm.s32 @!p0 $0x1082;
	s9 =	sld [smem:$0x3FB5]  }
0x2f: {  	lr =	sadd.s32 s0, s3;
	s0 =	sld [smem:$0x3FAC]  }
0x30: {  	s3 =	sld [smem:$0x3FAF]  }
0x31: {  	[smem:$0x3FB8] =	sst s10  }
0x32: {  	s10 =	sld [smem:$0x3FB6];
	_ =	sdelay $0x3  }
0x33: {  	p0 =	seq.s32 s10, $0x1;
	s10 =	sld [smem:$0x3FB8];
	_ =	sdelay $0x3  }
0x34: {  	[smem:$0x3FB8] =	sst s10  }
0x35: {  	s10 =	sld [smem:$0x3FB7];
	_ =	sdelay $0x3  }
0x36: {  	p1 =	seq.s32 s10, $0x1;
	s10 =	sld [smem:$0x3FB8];
	_ =	sdelay $0x3  }
0x37: {  	[smem:$0x3FB8] =	sst s10  }
0x38: {  	s10 =	sld [smem:$0x3FB9]  }
0x39: {  	_ = 	snop;
	(pc) =	sbr.ind lr, $3  }
0x3a: {  	_ = 	snop  }
0x3b: {  	_ = 	snop  }
0x3c: {  	p2 =	seq.s32 s10, $0x1;
	s10 =	sld [smem:$0x3FB8]  }
0x3d: {  	_ =	shalt  }
0x3e: {  	_ =	shalt  }
0x3f: {  	_ =	shalt  }
0x40: {  	_ =	shalt  }
0x41: {  	_ =	shalt  }
0x42: {  	_ =	shalt  }
0x43: {  	_ =	shalt  }
0x44: {  	_ =	shalt  }
0x45: {  	_ =	shalt  }
0x46: {  	_ =	shalt  }
0x47: {  	_ =	shalt  }
0x48: {  	_ =	shalt  }
0x49: {  	_ =	shalt  }
0x4a: {  	_ =	shalt  }
0x4b: {  	_ =	shalt  }
0x4c: {  	_ =	shalt  }
0x4d: {  	_ =	shalt  }
0x4e: {  	_ =	shalt  }
0x4f: {  	_ =	shalt  }
0x50: {  	_ =	shalt  }
0x51: {  	_ =	shalt  }
0x52: {  	_ =	shalt  }
0x53: {  	_ =	shalt  }
0x54: {  	_ =	shalt  }
0x55: {  	_ =	shalt  }
0x56: {  	_ =	shalt  }
0x57: {  	_ =	shalt  }
0x58: {  	_ =	shalt  }
0x59: {  	_ =	shalt  }
0x5a: {  	_ =	shalt  }
0x5b: {  	_ =	shalt  }
0x5c: {  	_ =	shalt  }
0x5d: {  	_ =	shalt  }
0x5e: {  	_ =	shalt  }
0x5f: {  	_ =	shalt  }
0x60: {  	_ =	shalt  }
0x61: {  	_ =	shalt  }
0x62: {  	_ =	shalt  }
0x63: {  	_ =	shalt  }
0x64: {  	_ =	shalt  }
0x65: {  	_ =	shalt  }
0x66: {  	_ =	shalt  }
0x67: {  	_ =	shalt  }
0x68: {  	_ =	shalt  }
0x69: {  	_ =	shalt  }
0x6a: {  	_ =	shalt  }
0x6b: {  	_ =	shalt  }
0x6c: {  	_ =	shalt  }
0x6d: {  	_ =	shalt  }
0x6e: {  	_ =	shalt  }
0x6f: {  	_ =	shalt  }
0x70: {  	_ =	shalt  }
0x71: {  	_ =	shalt  }
0x72: {  	_ =	shalt  }
0x73: {  	_ =	shalt  }
0x74: {  	_ =	shalt  }
0x75: {  	_ =	shalt  }
0x76: {  	_ =	shalt  }
0x77: {  	_ =	shalt  }
0x78: {  	_ =	shalt  }
0x79: {  	_ =	shalt  }
0x7a: {  	_ =	shalt  }
0x7b: {  	_ =	shalt  }
0x7c: {  	_ =	shalt  }
0x7d: {  	_ =	shalt  }
0x7e: {  	_ =	shalt  }
0x7f: {  	_ =	shalt  }
0x80: {  	_ =	shalt  }
0x81: {  	_ =	shalt  }
0x82: {  	_ =	shalt  }
0x83: {  	_ =	shalt  }
0x84: {  	_ =	shalt  }
0x85: {  	_ =	shalt  }
0x86: {  	_ =	shalt  }
0x87: {  	_ =	shalt  }
.Lfunc_end0:
.L_simem_size_0:
called_computation_lowered:
.L_overlay_start_0:
0x88: {  	s2 =	sld [smem:$0x3FD9]  }
0x89: {  	s3 =	sld [smem:$0x3FFE];
	_ =	sdelay $0x1  }
0x8a: {  	s1 =	srdreg.scid  }
0x8b: {  	s0 =	sand.u32 $0x1, s1  }
0x8c: {  	s17 =	sshll.u32 s0, $0xA;
	s2 =	sadd.s32 s3, s2  }
0x8d: {  	s2 =	sadd.s32 s2, s17  }
0x8e: {  	[smem:$0x3FC4] =	sst s2  }
0x8f: {  	_ = 	snop  }
0x90: {  	s2 =	sld [smem:$0x3FC9]  }
0x91: {  	s18 =	sld [smem:$0x3FD0];
	(tm) =	ssettm $0x1  }
0x92: {  	s4 =	sld [smem:$0x3FFB];
	_ =	sdelay $0x3  }
0x93: {  	_ =	strace s4  }
0x94: {  	s4 =	sld [smem:$0x3FFC];
	_ =	sdelay $0x3  }
0x95: {  	_ =	strace s4  }
0x96: {  	s4 =	sld [smem:$0x3FFD];
	_ =	sdelay $0x3  }
0x97: {  	_ =	strace s4  }
0x98: {  	_ =	strace $0x8FFFFFFF  }
0x99: {  	s19 =	sld [smem:$0x3FDB];
	_ =	sdelay $0x1  }
0x9a: {  	s5 =	simm.s32 $_scs_section_size  }
0x9b: {  	s6 =	simm.s32 $_size__tile_overlayer_lowered;
	s7 =	simm.s32 $_tile_overlayer_lowered  }
0x9c: {  	s22 =	simm.s32 $0x1BFF;
	s21 =	sshll.u32 s7, $0x1;
	s4 =	sadd.s32 s5, s19  }
0x9d: {  	s8 =	simm.s32 $0x0;
	s20 =	sshll.u32 s6, $0x1;
	s6 =	sadd.s32 s21, s4  }
0x9e: {  	[timem:s8], [sflag:s22] =	dma.local [hbm:s6], s20  }
0x9f: {  	_ =	swait.ge [sflag:s22], s20  }
0xa0: {  	s5 =	ssub.s32 $0x0, s20;
	[sflag:s22] =	ssyncset.done $0x0  }
0xa1: {  	[sflag:s22] =	ssyncadd.s32 s5;
	_ =	sdelay $0x1  }
0xa2: {  	s23 =	simm.s32 $0x1B8B  }
0xa3: {  	_ =	swait.ge [sflag:s23], $0x1  }
0xa4: {  	[sflag:s23] =	ssyncset.done $0x0  }
0xa5: {  	s25 =	simm.s32 $0x1B8E;
	s24 =	sld [smem:$0x3FFE];
	[sflag:s23] =	ssyncadd.s32 $0xFFFFFFFF  }
0xa6: {  	s26 =	simm.s32 $execute0_lowered;
	[smem:$0x3FD2] =	sst s25  }
0xa7: {  	s6 =	sshll.u32 s26, $0x1;
	_ =	strace $0x80000046;
	[dreg:$0x1] =	wrdreg $0xFFFFFFFF  }
0xa8: {  	s28 =	simm.s32 $_size_execute0_lowered;
	s4 =	sadd.s32 s4, s6;
	[dreg:$0x0] =	wrdreg $0x0  }
0xa9: {  	s6 =	sshll.u32 s28, $0x1;
	[dreg:$0x2] =	wrdreg s4  }
0xaa: {  	[dreg:$0x3] =	wrdreg s6  }
0xab: {  	[dreg:$0x4] =	wrdreg $0xC0  }
0xac: {  	_ =	task [dreg:s8], $0x5FFFF  }
0xad: {  	[dreg:$0x1] =	wrdreg $0xFFFFFFFF  }
0xae: {  	[dreg:$0x0] =	wrdreg $0x60  }
0xaf: {  	[dreg:$0x2] =	wrdreg s24  }
0xb0: {  	[dreg:$0x3] =	wrdreg s2  }
0xb1: {  	[dreg:$0x4] =	wrdreg s18  }
0xb2: {  	[dreg:$0x5] =	wrdreg $0x9  }
0xb3: {  	_ =	task.clear_ibuf [dreg:s8], $0x6FFFF;
	_ =	strace $0x90000046  }
0xb4: {  	s29 =	simm.s32 $0x9;
	_ =	strace $0x80000048  }
0xb5: {  	_ =	swait.ge [sflag:s29], $0x1  }
0xb6: {  	[sflag:s29] =	ssyncadd.s32 $0xFFFFFFFF  }
0xb7: {  	_ =	strace $0x90000048  }
0xb8: {  	_ =	sfence  }
0xb9: {  	s30 =	sld [smem:$0x0];
	_ =	sdelay $0x2  }
0xba: {  	s31 =	sshll.u32 s1, $0xD;
	s1 =	sshrl.u32 s1, $0x2  }
0xbb: {  	s3 =	sand.u32 $0x4000, s31;
	s1 =	sadd.s32 s1, s30  }
0xbc: {  	s0 =	sor.u32 s3, s0;
	s1 =	sshll.u32 s1, $0x11  }
0xbd: {  	s0 =	sor.u32 s1, s0  }
0xbe: {  	s0 =	sadd.s32 $0x8F2B, s0  }
0xbf: {  	[sflag:s0] =	ssyncadd.remote.s32 $0x1  }
0xc0: {  	_ =	sfence.sel $0xFFFF  }
0xc1: {  	[dreg:$0x0] =	wrdreg $0xFFFFFFFF;
	(pc) =	sbr.abs _section_cstart, $3  }
0xc2: {  	[dreg:$0x1] =	wrdreg $0xFFFFFFFF  }
0xc3: {  	_ =	task.clear_ibuf [dreg:s8], $0x2FFFF;
	_ =	strace $0x9FFFFFFF  }
0xc4: {  	(tm) =	ssettm $0x7FFFFFFF  }
0xc5: {  	_ =	shalt  }
tec
execute0_lowered:
.L_overlay_start_1:
0x0: {  	(tag) =	ssettag $0x1  }
0x1: {  	s0 =	rddreg [dreg:$0x0]  }
0x2: {  	s1 =	rddreg [dreg:$0x1];
	s6 =	stileid.u32  }
0x3: {  	s3 =	rddreg [dreg:$0x2];
	s4 =	srdreg.scid;
	s5 =	sshll.u32 s6, $0x1  }
0x4: {  	s2 =	simm.s32 $0x0;
	s4 =	sand.u32 $0x1, s4;
	s5 =	sand.u32 $0x6, s5  }
0x5: {  	[smem:$0x7FF] =	sst s2;
	s6 =	sshll.u32 s6, $0x2;
	s5 =	sor.u32 s4, s5  }
0x6: {  	s0 =	sadd.s32 $0xA00, s0;
	s6 =	sand.u32 $0x30, s6;
	s5 =	sshll.u32 s5, $0x8  }
0x7: {  	_ =	strace $0x80000047;
	s4 =	ssub.s32 $0x2, s4;
	s5 =	sor.u32 s6, s5  }
0x8: {  	[dreg:$0x4] =	wrdreg s0;
	s29 =	sshrl.u32 s4, $0x1;
	s1 =	sadd.s32 s1, s5  }
0x9: {  	s0 =	ssub.s32 s4, s29;
	s30 =	sadd.s32 s3, s5;
	[dreg:$0x5] =	wrdreg s1  }
0xa: {  	s0 =	smax.u32 s0, $0x1;
	[dreg:$0x6] =	wrdreg s30  }
0xb: {  	s10 =	simm.s32 $0x2;
	s3 =	sadd.s32 $0x40, s30;
	[dreg:$0xa] =	wrdreg s0  }
0xc: {  	s11 =	simm.s32 $0x80;
	s31 =	sadd.s32 $0x80, s30;
	[dreg:$0x7] =	wrdreg s3  }
0xd: {  	s14 =	simm.s32 $0x4000;
	s1 =	sadd.s32 $0xC0, s30;
	[dreg:$0x8] =	wrdreg s31  }
0xe: {  	s19 =	simm.s32 $0x1;
	s20 =	simm.s32 $0x0;
	[dreg:$0x9] =	wrdreg s1  }
.LBB2_1:
0xf: {  	s0 =	rddreg [dreg:$0x4]  }
0x10: {  	[tilespmem:s2], [sflag:$0x2] =	stream.linear.gather [hbm4b:s0+s2], $0x2080, $0x38;
	[tilespmem:$0x7480] =	vst v63  }
0x11: {  	_ =	swait.ge [sflag:s10], $0x2080  }
0x12: {  	s1 =	simm.s32 $0x200;
	[sflag:s10] =	ssyncset.done $0x0  }
0x13: {  	s3 =	simm.s32 $0x2080;
	s4 =	rddreg [dreg:$0x5];
	[sflag:s10] =	ssyncadd.s32 $0xFFFFDF80  }
0x14: {  	[tilespmem:s3], [sflag:$0x2] =	stream.strided.gather [hbm4b:s4+s11], $0x200, s1, s11, $0x38;
	[tilespmem:$0x7480] =	vst v63  }
0x15: {  	_ =	swait.ge [sflag:s10], $0x200  }
0x16: {  	[sflag:s10] =	ssyncset.done $0x0  }
0x17: {  	s5 =	simm.s32 $0x2090;
	[sflag:s10] =	ssyncadd.s32 $0xFFFFFE00  }
0x18: {  	v0 =	vld [tilespmem:s5+$0x0];
	_ =	sdelay $0x2  }
0x19: {  	v1 =	vld [tilespmem:s5+$0xFFFFFFF0];
	_ =	sdelay $0x1  }
0x1a: {  	v4 =	vmul.u32 $0x29, v0;
	_ =	sdelay $0x2  }
0x1b: {  	v3 =	vmul.u32 $0x29, v1;
	_ =	sdelay $0x1  }
0x1c: {  	s6 =	simm.s32 $0x0  }
0x1d: {  	s0 =	smul.u32 $0x5200, s6;
	v0 =	vld.idx.msk [tilespmem:v4+s2+$0x0], $0xffff  }
0x1e: {  	v1 =	vadd.s32 $0x1, v4  }
0x1f: {  	s7 =	simm.s32 $0x10;
	s12 =	sshra.s32 s0, $0x2  }
0x20: {  	s0 =	sadd.s32 $0x2280, s12;
	s1 =	sand.u32 $0x70, s7;
	v2 =	vld.idx.msk [tilespmem:v3+s2+$0x0], $0xffff  }
0x21: {  	s8 =	sor.u32 s1, s0;
	v5 =	vadd.s32 $0x1, v3  }
0x22: {  	s4 =	simm.s32 $0x0;
	[tilespmem:s8+$0x0] =	vst v0  }
0x23: {  	s31 =	sand.u32 $0x60, s4;
	v0 =	vld.idx.msk [tilespmem:v1+s2+$0x0], $0xffff  }
0x24: {  	s0 =	sor.u32 s31, s0;
	v1 =	vadd.s32 $0x2, v4  }
0x25: {  	[tilespmem:s0+$0x0] =	vst v2  }
0x26: {  	s9 =	sadd.s32 $0x2300, s12;
	v2 =	vld.idx.msk [tilespmem:v5+s2+$0x0], $0xffff  }
0x27: {  	s13 =	sor.u32 s1, s9;
	v5 =	vadd.s32 $0x2, v3  }
0x28: {  	[tilespmem:s13+$0x0] =	vst v0  }
0x29: {  	v0 =	vld.idx.msk [tilespmem:v1+s2+$0x0], $0xffff  }
0x2a: {  	s0 =	sor.u32 s31, s9;
	v1 =	vadd.s32 $0x3, v4  }
0x2b: {  	[tilespmem:s0+$0x0] =	vst v2  }
0x2c: {  	s15 =	sadd.s32 $0x2380, s12;
	v2 =	vld.idx.msk [tilespmem:v5+s2+$0x0], $0xffff  }
0x2d: {  	s16 =	sor.u32 s1, s15;
	v5 =	vadd.s32 $0x3, v3  }
0x2e: {  	[tilespmem:s16+$0x0] =	vst v0  }
0x2f: {  	v0 =	vld.idx.msk [tilespmem:v1+s2+$0x0], $0xffff  }
0x30: {  	s0 =	sor.u32 s31, s15;
	v1 =	vadd.s32 $0x4, v4  }
0x31: {  	[tilespmem:s0+$0x0] =	vst v2  }
0x32: {  	s17 =	sadd.s32 $0x2400, s12;
	v2 =	vld.idx.msk [tilespmem:v5+s2+$0x0], $0xffff  }
0x33: {  	s18 =	sor.u32 s1, s17;
	v5 =	vadd.s32 $0x4, v3  }
0x34: {  	[tilespmem:s18+$0x0] =	vst v0  }
0x35: {  	v0 =	vld.idx.msk [tilespmem:v1+s2+$0x0], $0xffff  }
0x36: {  	s0 =	sor.u32 s31, s17;
	v1 =	vadd.s32 $0x5, v4  }
0x37: {  	[tilespmem:s0+$0x0] =	vst v2  }
0x38: {  	s21 =	sadd.s32 $0x2480, s12;
	v2 =	vld.idx.msk [tilespmem:v5+s2+$0x0], $0xffff  }
0x39: {  	s22 =	sor.u32 s1, s21;
	v5 =	vadd.s32 $0x5, v3  }
0x3a: {  	[tilespmem:s22+$0x0] =	vst v0  }
0x3b: {  	v0 =	vld.idx.msk [tilespmem:v1+s2+$0x0], $0xffff  }
0x3c: {  	s0 =	sor.u32 s31, s21;
	v1 =	vadd.s32 $0x6, v4  }
0x3d: {  	[tilespmem:s0+$0x0] =	vst v2  }
0x3e: {  	s23 =	sadd.s32 $0x2500, s12;
	v2 =	vld.idx.msk [tilespmem:v5+s2+$0x0], $0xffff  }
0x3f: {  	s24 =	sor.u32 s1, s23;
	v5 =	vadd.s32 $0x6, v3  }
0x40: {  	[tilespmem:s24+$0x0] =	vst v0  }
0x41: {  	v0 =	vld.idx.msk [tilespmem:v1+s2+$0x0], $0xffff  }
0x42: {  	s0 =	sor.u32 s31, s23;
	v1 =	vadd.s32 $0x7, v4  }
0x43: {  	[tilespmem:s0+$0x0] =	vst v2  }
0x44: {  	s25 =	sadd.s32 $0x2580, s12;
	v2 =	vld.idx.msk [tilespmem:v5+s2+$0x0], $0xffff  }
0x45: {  	s26 =	sor.u32 s1, s25;
	v5 =	vadd.s32 $0x7, v3  }
0x46: {  	[tilespmem:s26+$0x0] =	vst v0  }
0x47: {  	v0 =	vld.idx.msk [tilespmem:v1+s2+$0x0], $0xffff  }
0x48: {  	s0 =	sor.u32 s31, s25;
	v1 =	vadd.s32 $0x8, v4  }
0x49: {  	[tilespmem:s0+$0x0] =	vst v2  }
0x4a: {  	s4 =	sadd.s32 $0x2600, s12;
	v2 =	vld.idx.msk [tilespmem:v5+s2+$0x0], $0xffff  }
0x4b: {  	s5 =	sor.u32 s1, s4;
	v5 =	vadd.s32 $0x8, v3  }
0x4c: {  	[tilespmem:s5+$0x0] =	vst v0  }
0x4d: {  	v0 =	vld.idx.msk [tilespmem:v1+s2+$0x0], $0xffff  }
0x4e: {  	s0 =	sor.u32 s31, s4;
	v1 =	vadd.s32 $0x9, v4  }
0x4f: {  	[tilespmem:s0+$0x0] =	vst v2  }
0x50: {  	s6 =	sadd.s32 $0x2680, s12;
	v2 =	vld.idx.msk [tilespmem:v5+s2+$0x0], $0xffff  }
0x51: {  	s7 =	sor.u32 s1, s6;
	v5 =	vadd.s32 $0x9, v3  }
0x52: {  	[tilespmem:s7+$0x0] =	vst v0  }
0x53: {  	v0 =	vld.idx.msk [tilespmem:v1+s2+$0x0], $0xffff  }
0x54: {  	s0 =	sor.u32 s31, s6;
	v1 =	vadd.s32 $0xA, v4  }
0x55: {  	[tilespmem:s0+$0x0] =	vst v2  }
0x56: {  	s8 =	sadd.s32 $0x2700, s12;
	v2 =	vld.idx.msk [tilespmem:v5+s2+$0x0], $0xffff  }
0x57: {  	s9 =	sor.u32 s1, s8;
	s13 =	simm.s32 $0x20B0;
	v5 =	vadd.s32 $0xA, v3  }
0x58: {  	v6 =	vld [tilespmem:s13+$0x0];
	[tilespmem:s9+$0x0] =	vst v0  }
0x59: {  	v0 =	vld.idx.msk [tilespmem:v1+s2+$0x0], $0xffff  }
0x5a: {  	s0 =	sor.u32 s31, s8;
	v1 =	vadd.s32 $0xB, v4  }
0x5b: {  	[tilespmem:s0+$0x0] =	vst v2;
	v2 =	vld [tilespmem:s13+$0xFFFFFFF0]  }
0x5c: {  	s15 =	sadd.s32 $0x2780, s12;
	v5 =	vld.idx.msk [tilespmem:v5+s2+$0x0], $0xffff  }
0x5d: {  	v7 =	vadd.s32 $0xB, v3;
	s16 =	sor.u32 s1, s15  }
0x5e: {  	[tilespmem:s16+$0x0] =	vst v0;
	v0 =	vmul.u32 $0x29, v6  }
0x5f: {  	v1 =	vld.idx.msk [tilespmem:v1+s2+$0x0], $0xffff  }
0x60: {  	v8 =	vadd.s32 $0xC, v4;
	s0 =	sor.u32 s31, s15;
	v6 =	vmul.u32 $0x29, v2  }
0x61: {  	[tilespmem:s0+$0x0] =	vst v5  }
0x62: {  	s17 =	sadd.s32 $0x2800, s12;
	v2 =	vld.idx.msk [tilespmem:v7+s2+$0x0], $0xffff  }
0x63: {  	s18 =	sor.u32 s1, s17;
	s21 =	simm.s32 $0x0;
	v5 =	vadd.s32 $0xC, v3  }
0x64: {  	s22 =	smul.u32 $0x5200, s21;
	v7 =	vld.idx.msk [tilespmem:v0+s2+$0x0], $0xffff;
	[tilespmem:s18+$0x0] =	vst v1  }
0x65: {  	v1 =	vld.idx.msk [tilespmem:v8+s2+$0x0], $0xffff;
	v8 =	vadd.s32 $0x1, v0  }
0x66: {  	v9 =	vadd.s32 $0xD, v4;
	s23 =	simm.s32 $0x30;
	s22 =	sshra.s32 s22, $0x2;
	s0 =	sor.u32 s31, s17;
	v10 =	vld.idx.msk [tilespmem:v6+s2+$0x0], $0xffff  }
0x67: {  	s21 =	sand.u32 $0x70, s23;
	s24 =	sadd.s32 $0x2280, s22;
	[tilespmem:s0+$0x0] =	vst v2;
	v2 =	vadd.s32 $0x1, v6  }
0x68: {  	s25 =	sor.u32 s21, s24;
	s26 =	sadd.s32 $0x2880, s12;
	s6 =	simm.s32 $0x20;
	v5 =	vld.idx.msk [tilespmem:v5+s2+$0x0], $0xffff  }
0x69: {  	v11 =	vadd.s32 $0xD, v3;
	s5 =	sor.u32 s1, s26;
	s23 =	sand.u32 $0x60, s6;
	[tilespmem:s25+$0x0] =	vst v7  }
0x6a: {  	s6 =	sor.u32 s23, s24;
	v7 =	vld.idx.msk [tilespmem:v8+s2+$0x0], $0xffff;
	[tilespmem:s5+$0x0] =	vst v1  }
0x6b: {  	[tilespmem:s6+$0x0] =	vst v10;
	v8 =	vadd.s32 $0x2, v0;
	v1 =	vld.idx.msk [tilespmem:v9+s2+$0x0], $0xffff  }
0x6c: {  	s3 =	sor.u32 s31, s26;
	v2 =	vld.idx.msk [tilespmem:v2+s2+$0x0], $0xffff;
	v9 =	vadd.s32 $0xE, v4  }
0x6d: {  	s7 =	sadd.s32 $0x2300, s22;
	[tilespmem:s3+$0x0] =	vst v5;
	v5 =	vadd.s32 $0x2, v6  }
0x6e: {  	s8 =	sor.u32 s21, s7;
	s9 =	sadd.s32 $0x2900, s12;
	v10 =	vld.idx.msk [tilespmem:v11+s2+$0x0], $0xffff  }
0x6f: {  	s13 =	sor.u32 s1, s9;
	v11 =	vadd.s32 $0xE, v3;
	[tilespmem:s8+$0x0] =	vst v7  }
0x70: {  	s0 =	sor.u32 s23, s7;
	v7 =	vld.idx.msk [tilespmem:v8+s2+$0x0], $0xffff;
	[tilespmem:s13+$0x0] =	vst v1  }
0x71: {  	[tilespmem:s0+$0x0] =	vst v2;
	v8 =	vadd.s32 $0x3, v0;
	v1 =	vld.idx.msk [tilespmem:v9+s2+$0x0], $0xffff  }
0x72: {  	s15 =	sor.u32 s31, s9;
	v2 =	vadd.s32 $0xF, v4;
	v5 =	vld.idx.msk [tilespmem:v5+s2+$0x0], $0xffff  }
0x73: {  	s16 =	sadd.s32 $0x2380, s22;
	[tilespmem:s15+$0x0] =	vst v10;
	v9 =	vadd.s32 $0x3, v6  }
0x74: {  	s17 =	sor.u32 s21, s16;
	s18 =	sadd.s32 $0x2980, s12;
	v10 =	vld.idx.msk [tilespmem:v11+s2+$0x0], $0xffff  }
0x75: {  	s24 =	sor.u32 s1, s18;
	v11 =	vadd.s32 $0xF, v3;
	[tilespmem:s17+$0x0] =	vst v7  }
0x76: {  	s0 =	sor.u32 s23, s16;
	v7 =	vld.idx.msk [tilespmem:v8+s2+$0x0], $0xffff;
	[tilespmem:s24+$0x0] =	vst v1  }
0x77: {  	[tilespmem:s0+$0x0] =	vst v5;
	v1 =	vld.idx.msk [tilespmem:v2+s2+$0x0], $0xffff;
	v2 =	vadd.s32 $0x4, v0  }
0x78: {  	s25 =	sor.u32 s31, s18;
	v5 =	vadd.s32 $0x10, v4;
	v8 =	vld.idx.msk [tilespmem:v9+s2+$0x0], $0xffff  }
0x79: {  	s26 =	sadd.s32 $0x2400, s22;
	[tilespmem:s25+$0x0] =	vst v10;
	v9 =	vadd.s32 $0x4, v6  }
0x7a: {  	s4 =	sor.u32 s21, s26;
	s5 =	sadd.s32 $0x2A00, s12;
	v10 =	vld.idx.msk [tilespmem:v11+s2+$0x0], $0xffff  }
0x7b: {  	s6 =	sor.u32 s1, s5;
	v11 =	vadd.s32 $0x10, v3;
	[tilespmem:s4+$0x0] =	vst v7  }
0x7c: {  	s0 =	sor.u32 s23, s26;
	v2 =	vld.idx.msk [tilespmem:v2+s2+$0x0], $0xffff;
	[tilespmem:s6+$0x0] =	vst v1  }
0x7d: {  	[tilespmem:s0+$0x0] =	vst v8;
	v1 =	vld.idx.msk [tilespmem:v5+s2+$0x0], $0xffff;
	v5 =	vadd.s32 $0x5, v0  }
0x7e: {  	s7 =	sor.u32 s31, s5;
	v7 =	vadd.s32 $0x11, v4;
	v8 =	vld.idx.msk [tilespmem:v9+s2+$0x0], $0xffff  }
0x7f: {  	s8 =	sadd.s32 $0x2480, s22;
	[tilespmem:s7+$0x0] =	vst v10;
	v9 =	vadd.s32 $0x5, v6  }
0x80: {  	s9 =	sor.u32 s21, s8;
	s13 =	sadd.s32 $0x2A80, s12;
	v10 =	vld.idx.msk [tilespmem:v11+s2+$0x0], $0xffff  }
0x81: {  	s15 =	sor.u32 s1, s13;
	v11 =	vadd.s32 $0x11, v3;
	[tilespmem:s9+$0x0] =	vst v2  }
0x82: {  	s0 =	sor.u32 s23, s8;
	[tilespmem:s15+$0x0] =	vst v1;
	v1 =	vld.idx.msk [tilespmem:v5+s2+$0x0], $0xffff  }
0x83: {  	[tilespmem:s0+$0x0] =	vst v8;
	v5 =	vadd.s32 $0x6, v0;
	v2 =	vld.idx.msk [tilespmem:v7+s2+$0x0], $0xffff  }
0x84: {  	s16 =	sor.u32 s31, s13;
	v8 =	vld.idx.msk [tilespmem:v9+s2+$0x0], $0xffff;
	v7 =	vadd.s32 $0x12, v4  }
0x85: {  	s17 =	sadd.s32 $0x2500, s22;
	[tilespmem:s16+$0x0] =	vst v10;
	v9 =	vadd.s32 $0x6, v6  }
0x86: {  	s18 =	sor.u32 s21, s17;
	s24 =	sadd.s32 $0x2B00, s12;
	v10 =	vld.idx.msk [tilespmem:v11+s2+$0x0], $0xffff  }
0x87: {  	s25 =	sor.u32 s1, s24;
	v11 =	vadd.s32 $0x12, v3;
	[tilespmem:s18+$0x0] =	vst v1  }
0x88: {  	s0 =	sor.u32 s23, s17;
	v1 =	vld.idx.msk [tilespmem:v5+s2+$0x0], $0xffff;
	[tilespmem:s25+$0x0] =	vst v2  }
0x89: {  	[tilespmem:s0+$0x0] =	vst v8;
	v5 =	vadd.s32 $0x7, v0;
	v2 =	vld.idx.msk [tilespmem:v7+s2+$0x0], $0xffff  }
0x8a: {  	s26 =	sor.u32 s31, s24;
	v8 =	vld.idx.msk [tilespmem:v9+s2+$0x0], $0xffff;
	v7 =	vadd.s32 $0x13, v4  }
0x8b: {  	s4 =	sadd.s32 $0x2580, s22;
	[tilespmem:s26+$0x0] =	vst v10;
	v9 =	vadd.s32 $0x7, v6  }
0x8c: {  	s5 =	sor.u32 s21, s4;
	s6 =	sadd.s32 $0x2B80, s12;
	v10 =	vld.idx.msk [tilespmem:v11+s2+$0x0], $0xffff  }
0x8d: {  	s7 =	sor.u32 s1, s6;
	v11 =	vadd.s32 $0x13, v3;
	[tilespmem:s5+$0x0] =	vst v1  }
0x8e: {  	s0 =	sor.u32 s23, s4;
	v1 =	vld.idx.msk [tilespmem:v5+s2+$0x0], $0xffff;
	[tilespmem:s7+$0x0] =	vst v2  }
0x8f: {  	[tilespmem:s0+$0x0] =	vst v8;
	v5 =	vadd.s32 $0x8, v0;
	v2 =	vld.idx.msk [tilespmem:v7+s2+$0x0], $0xffff  }
0x90: {  	s8 =	sor.u32 s31, s6;
	v8 =	vld.idx.msk [tilespmem:v9+s2+$0x0], $0xffff;
	v7 =	vadd.s32 $0x14, v4  }
0x91: {  	s9 =	sadd.s32 $0x2600, s22;
	[tilespmem:s8+$0x0] =	vst v10;
	v9 =	vadd.s32 $0x8, v6  }
0x92: {  	s13 =	sor.u32 s21, s9;
	s15 =	sadd.s32 $0x2C00, s12;
	v10 =	vld.idx.msk [tilespmem:v11+s2+$0x0], $0xffff  }
0x93: {  	s16 =	sor.u32 s1, s15;
	v11 =	vadd.s32 $0x14, v3;
	[tilespmem:s13+$0x0] =	vst v1  }
0x94: {  	s0 =	sor.u32 s23, s9;
	v1 =	vld.idx.msk [tilespmem:v5+s2+$0x0], $0xffff;
	[tilespmem:s16+$0x0] =	vst v2  }
0x95: {  	[tilespmem:s0+$0x0] =	vst v8;
	v5 =	vadd.s32 $0x9, v0;
	v2 =	vld.idx.msk [tilespmem:v7+s2+$0x0], $0xffff  }
0x96: {  	s17 =	sor.u32 s31, s15;
	v8 =	vld.idx.msk [tilespmem:v9+s2+$0x0], $0xffff;
	v7 =	vadd.s32 $0x15, v4  }
0x97: {  	s18 =	sadd.s32 $0x2680, s22;
	[tilespmem:s17+$0x0] =	vst v10;
	v9 =	vadd.s32 $0x9, v6  }
0x98: {  	s24 =	sor.u32 s21, s18;
	s25 =	sadd.s32 $0x2C80, s12;
	v10 =	vld.idx.msk [tilespmem:v11+s2+$0x0], $0xffff  }
0x99: {  	s26 =	sor.u32 s1, s25;
	v11 =	vadd.s32 $0x15, v3;
	[tilespmem:s24+$0x0] =	vst v1  }
0x9a: {  	s0 =	sor.u32 s23, s18;
	v1 =	vld.idx.msk [tilespmem:v5+s2+$0x0], $0xffff;
	[tilespmem:s26+$0x0] =	vst v2  }
0x9b: {  	[tilespmem:s0+$0x0] =	vst v8;
	v5 =	vadd.s32 $0xA, v0;
	v2 =	vld.idx.msk [tilespmem:v7+s2+$0x0], $0xffff  }
0x9c: {  	s5 =	sor.u32 s31, s25;
	v8 =	vld.idx.msk [tilespmem:v9+s2+$0x0], $0xffff;
	v7 =	vadd.s32 $0x16, v4  }
0x9d: {  	s6 =	sadd.s32 $0x2700, s22;
	[tilespmem:s5+$0x0] =	vst v10;
	v9 =	vadd.s32 $0xA, v6  }
0x9e: {  	s9 =	sadd.s32 $0x2D00, s12;
	s7 =	sor.u32 s21, s6;
	s8 =	simm.s32 $0x20D0;
	v10 =	vld.idx.msk [tilespmem:v11+s2+$0x0], $0xffff  }
0x9f: {  	v12 =	vld [tilespmem:s8+$0x0];
	s13 =	sor.u32 s1, s9;
	v11 =	vadd.s32 $0x16, v3;
	[tilespmem:s7+$0x0] =	vst v1  }
0xa0: {  	s0 =	sor.u32 s23, s6;
	v1 =	vld.idx.msk [tilespmem:v5+s2+$0x0], $0xffff;
	[tilespmem:s13+$0x0] =	vst v2  }
0xa1: {  	[tilespmem:s0+$0x0] =	vst v8;
	v5 =	vadd.s32 $0xB, v0;
	v2 =	vld.idx.msk [tilespmem:v7+s2+$0x0], $0xffff  }
0xa2: {  	s15 =	sor.u32 s31, s9;
	v8 =	vadd.s32 $0x17, v4;
	v9 =	vld.idx.msk [tilespmem:v9+s2+$0x0], $0xffff  }
0xa3: {  	s16 =	sadd.s32 $0x2780, s22;
	[tilespmem:s15+$0x0] =	vst v10;
	v7 =	vld [tilespmem:s8+$0xFFFFFFF0]  }
0xa4: {  	s18 =	sadd.s32 $0x2D80, s12;
	s17 =	sor.u32 s21, s16;
	v10 =	vadd.s32 $0xB, v6;
	v11 =	vld.idx.msk [tilespmem:v11+s2+$0x0], $0xffff  }
0xa5: {  	v13 =	vadd.s32 $0x17, v3;
	s24 =	sor.u32 s1, s18;
	[tilespmem:s17+$0x0] =	vst v1;
	v1 =	vmul.u32 $0x29, v12  }
0xa6: {  	v5 =	vld.idx.msk [tilespmem:v5+s2+$0x0], $0xffff;
	[tilespmem:s24+$0x0] =	vst v2  }
0xa7: {  	s0 =	sor.u32 s23, s16;
	v2 =	vld.idx.msk [tilespmem:v8+s2+$0x0], $0xffff;
	v8 =	vadd.s32 $0xC, v0  }
0xa8: {  	s25 =	sor.u32 s31, s18;
	[tilespmem:s0+$0x0] =	vst v9;
	v16 =	vmul.u32 $0x29, v7;
	v7 =	vadd.s32 $0x18, v4  }
0xa9: {  	s26 =	sadd.s32 $0x2800, s22;
	v9 =	vld.idx.msk [tilespmem:v10+s2+$0x0], $0xffff;
	[tilespmem:s25+$0x0] =	vst v11  }
0xaa: {  	s5 =	sadd.s32 $0x2E00, s12;
	s4 =	sor.u32 s21, s26;
	s7 =	simm.s32 $0x0;
	v10 =	vadd.s32 $0xC, v6;
	v11 =	vld.idx.msk [tilespmem:v13+s2+$0x0], $0xffff  }
0xab: {  	s6 =	smul.u32 $0x5200, s7;
	s8 =	sor.u32 s1, s5;
	v12 =	vadd.s32 $0x18, v3;
	v13 =	vld.idx.msk [tilespmem:v1+s2+$0x0], $0xffff;
	[tilespmem:s4+$0x0] =	vst v5  }
0xac: {  	v5 =	vld.idx.msk [tilespmem:v8+s2+$0x0], $0xffff;
	[tilespmem:s8+$0x0] =	vst v2;
	v2 =	vadd.s32 $0x1, v1  }
0xad: {  	s9 =	simm.s32 $0x50;
	s0 =	sor.u32 s23, s26;
	s24 =	sshra.s32 s6, $0x2;
	v8 =	vadd.s32 $0xD, v0;
	v7 =	vld.idx.msk [tilespmem:v7+s2+$0x0], $0xffff  }
0xae: {  	s25 =	sand.u32 $0x70, s9;
	s6 =	sadd.s32 $0x2280, s24;
	s4 =	sor.u32 s31, s5;
	[tilespmem:s0+$0x0] =	vst v9;
	v9 =	vadd.s32 $0x19, v4;
	v14 =	vld.idx.msk [tilespmem:v16+s2+$0x0], $0xffff  }
0xaf: {  	s15 =	sadd.s32 $0x2880, s22;
	v15 =	vadd.s32 $0x1, v16;
	s13 =	sor.u32 s25, s6;
	v10 =	vld.idx.msk [tilespmem:v10+s2+$0x0], $0xffff;
	[tilespmem:s4+$0x0] =	vst v11  }
0xb0: {  	s16 =	simm.s32 $0x40;
	s17 =	sor.u32 s21, s15;
	v11 =	vadd.s32 $0xD, v6;
	v12 =	vld.idx.msk [tilespmem:v12+s2+$0x0], $0xffff;
	[tilespmem:s13+$0x0] =	vst v13;
	s13 =	sadd.s32 $0x2E80, s12  }
0xb1: {  	s26 =	sand.u32 $0x60, s16;
	v13 =	vadd.s32 $0x19, v3;
	v2 =	vld.idx.msk [tilespmem:v2+s2+$0x0], $0xffff;
	[tilespmem:s17+$0x0] =	vst v5;
	s18 =	sor.u32 s1, s13  }
0xb2: {  	s4 =	sor.u32 s26, s6;
	v5 =	vld.idx.msk [tilespmem:v8+s2+$0x0], $0xffff;
	[tilespmem:s18+$0x0] =	vst v7;
	v7 =	vadd.s32 $0x2, v1  }
0xb3: {  	s3 =	sor.u32 s23, s15;
	[tilespmem:s4+$0x0] =	vst v14;
	v8 =	vld.idx.msk [tilespmem:v9+s2+$0x0], $0xffff;
	v9 =	vadd.s32 $0xE, v0  }
0xb4: {  	s5 =	sadd.s32 $0x2300, s24;
	s4 =	sor.u32 s31, s13;
	[tilespmem:s3+$0x0] =	vst v10;
	v10 =	vadd.s32 $0x1A, v4;
	v14 =	vld.idx.msk [tilespmem:v15+s2+$0x0], $0xffff  }
0xb5: {  	s7 =	sadd.s32 $0x2900, s22;
	s6 =	sor.u32 s25, s5;
	v15 =	vadd.s32 $0x2, v16;
	v11 =	vld.idx.msk [tilespmem:v11+s2+$0x0], $0xffff;
	[tilespmem:s4+$0x0] =	vst v12  }
0xb6: {  	s9 =	sadd.s32 $0x2F00, s12;
	s8 =	sor.u32 s21, s7;
	v12 =	vadd.s32 $0xE, v6;
	[tilespmem:s6+$0x0] =	vst v2;
	v2 =	vld.idx.msk [tilespmem:v13+s2+$0x0], $0xffff  }
0xb7: {  	s13 =	sor.u32 s1, s9;
	v13 =	vadd.s32 $0x1A, v3;
	v7 =	vld.idx.msk [tilespmem:v7+s2+$0x0], $0xffff;
	[tilespmem:s8+$0x0] =	vst v5  }
0xb8: {  	s4 =	sor.u32 s26, s5;
	v5 =	vld.idx.msk [tilespmem:v9+s2+$0x0], $0xffff;
	[tilespmem:s13+$0x0] =	vst v8;
	v8 =	vadd.s32 $0x3, v1  }
0xb9: {  	s15 =	sor.u32 s23, s7;
	[tilespmem:s4+$0x0] =	vst v14;
	v9 =	vld.idx.msk [tilespmem:v10+s2+$0x0], $0xffff;
	v10 =	vadd.s32 $0xF, v0  }
0xba: {  	s16 =	sadd.s32 $0x2380, s24;
	s3 =	sor.u32 s31, s9;
	[tilespmem:s15+$0x0] =	vst v11;
	v11 =	vadd.s32 $0x1B, v4;
	v14 =	vld.idx.msk [tilespmem:v15+s2+$0x0], $0xffff  }
0xbb: {  	s17 =	sor.u32 s25, s16;
	s18 =	sadd.s32 $0x2980, s22;
	v15 =	vadd.s32 $0x3, v16;
	v12 =	vld.idx.msk [tilespmem:v12+s2+$0x0], $0xffff;
	[tilespmem:s3+$0x0] =	vst v2  }
0xbc: {  	s7 =	sadd.s32 $0x2F80, s12;
	s5 =	sor.u32 s21, s18;
	v2 =	vadd.s32 $0xF, v6;
	[tilespmem:s17+$0x0] =	vst v7;
	v7 =	vld.idx.msk [tilespmem:v13+s2+$0x0], $0xffff  }
0xbd: {  	s8 =	sor.u32 s1, s7;
	v13 =	vadd.s32 $0x1B, v3;
	v8 =	vld.idx.msk [tilespmem:v8+s2+$0x0], $0xffff;
	[tilespmem:s5+$0x0] =	vst v5  }
0xbe: {  	s4 =	sor.u32 s26, s16;
	v5 =	vld.idx.msk [tilespmem:v10+s2+$0x0], $0xffff;
	[tilespmem:s8+$0x0] =	vst v9;
	v9 =	vadd.s32 $0x4, v1  }
0xbf: {  	s9 =	sor.u32 s23, s18;
	[tilespmem:s4+$0x0] =	vst v14;
	v10 =	vld.idx.msk [tilespmem:v11+s2+$0x0], $0xffff;
	v11 =	vadd.s32 $0x10, v0  }
0xc0: {  	s13 =	sadd.s32 $0x2400, s24;
	s3 =	sor.u32 s31, s7;
	[tilespmem:s9+$0x0] =	vst v12;
	v12 =	vadd.s32 $0x1C, v4;
	v14 =	vld.idx.msk [tilespmem:v15+s2+$0x0], $0xffff  }
0xc1: {  	s16 =	sadd.s32 $0x2A00, s22;
	s15 =	sor.u32 s25, s13;
	v15 =	vadd.s32 $0x4, v16;
	v2 =	vld.idx.msk [tilespmem:v2+s2+$0x0], $0xffff;
	[tilespmem:s3+$0x0] =	vst v7  }
0xc2: {  	s18 =	sadd.s32 $0x3000, s12;
	s17 =	sor.u32 s21, s16;
	v7 =	vadd.s32 $0x10, v6;
	[tilespmem:s15+$0x0] =	vst v8;
	v8 =	vld.idx.msk [tilespmem:v13+s2+$0x0], $0xffff  }
0xc3: {  	s5 =	sor.u32 s1, s18;
	v13 =	vadd.s32 $0x1C, v3;
	v9 =	vld.idx.msk [tilespmem:v9+s2+$0x0], $0xffff;
	[tilespmem:s17+$0x0] =	vst v5  }
0xc4: {  	s4 =	sor.u32 s26, s13;
	v5 =	vld.idx.msk [tilespmem:v11+s2+$0x0], $0xffff;
	[tilespmem:s5+$0x0] =	vst v10;
	v10 =	vadd.s32 $0x5, v1  }
0xc5: {  	s6 =	sor.u32 s23, s16;
	[tilespmem:s4+$0x0] =	vst v14;
	v11 =	vld.idx.msk [tilespmem:v12+s2+$0x0], $0xffff;
	v12 =	vadd.s32 $0x11, v0  }
0xc6: {  	s7 =	sadd.s32 $0x2480, s24;
	s3 =	sor.u32 s31, s18;
	v14 =	vld.idx.msk [tilespmem:v15+s2+$0x0], $0xffff;
	[tilespmem:s6+$0x0] =	vst v2;
	v2 =	vadd.s32 $0x1D, v4  }
0xc7: {  	s9 =	sadd.s32 $0x2A80, s22;
	s8 =	sor.u32 s25, s7;
	v15 =	vadd.s32 $0x5, v16;
	v7 =	vld.idx.msk [tilespmem:v7+s2+$0x0], $0xffff;
	[tilespmem:s3+$0x0] =	vst v8  }
0xc8: {  	s13 =	sor.u32 s21, s9;
	s15 =	sadd.s32 $0x3080, s12;
	v8 =	vadd.s32 $0x11, v6;
	[tilespmem:s8+$0x0] =	vst v9;
	v9 =	vld.idx.msk [tilespmem:v13+s2+$0x0], $0xffff  }
0xc9: {  	s16 =	sor.u32 s1, s15;
	v13 =	vadd.s32 $0x1D, v3;
	[tilespmem:s13+$0x0] =	vst v5;
	v5 =	vld.idx.msk [tilespmem:v10+s2+$0x0], $0xffff  }
0xca: {  	s4 =	sor.u32 s26, s7;
	[tilespmem:s16+$0x0] =	vst v11;
	v10 =	vld.idx.msk [tilespmem:v12+s2+$0x0], $0xffff;
	v11 =	vadd.s32 $0x6, v1  }
0xcb: {  	s17 =	sor.u32 s23, s9;
	[tilespmem:s4+$0x0] =	vst v14;
	v12 =	vadd.s32 $0x12, v0;
	v2 =	vld.idx.msk [tilespmem:v2+s2+$0x0], $0xffff  }
0xcc: {  	s18 =	sadd.s32 $0x2500, s24;
	s3 =	sor.u32 s31, s15;
	v14 =	vld.idx.msk [tilespmem:v15+s2+$0x0], $0xffff;
	[tilespmem:s17+$0x0] =	vst v7;
	v7 =	vadd.s32 $0x1E, v4  }
0xcd: {  	s5 =	sadd.s32 $0x2B00, s22;
	s4 =	sor.u32 s25, s18;
	v15 =	vadd.s32 $0x6, v16;
	v8 =	vld.idx.msk [tilespmem:v8+s2+$0x0], $0xffff;
	[tilespmem:s3+$0x0] =	vst v9  }
0xce: {  	s7 =	sadd.s32 $0x3100, s12;
	s6 =	sor.u32 s21, s5;
	v9 =	vadd.s32 $0x12, v6;
	v13 =	vld.idx.msk [tilespmem:v13+s2+$0x0], $0xffff;
	[tilespmem:s4+$0x0] =	vst v5  }
0xcf: {  	s8 =	sor.u32 s1, s7;
	v5 =	vadd.s32 $0x1E, v3;
	v11 =	vld.idx.msk [tilespmem:v11+s2+$0x0], $0xffff;
	[tilespmem:s6+$0x0] =	vst v10  }
0xd0: {  	s0 =	sor.u32 s26, s18;
	v10 =	vld.idx.msk [tilespmem:v12+s2+$0x0], $0xffff;
	[tilespmem:s8+$0x0] =	vst v2;
	v2 =	vadd.s32 $0x7, v1  }
0xd1: {  	s9 =	sor.u32 s23, s5;
	[tilespmem:s0+$0x0] =	vst v14;
	v12 =	vadd.s32 $0x13, v0;
	v7 =	vld.idx.msk [tilespmem:v7+s2+$0x0], $0xffff  }
0xd2: {  	s15 =	sadd.s32 $0x2580, s24;
	s13 =	sor.u32 s31, s7;
	v14 =	vld.idx.msk [tilespmem:v15+s2+$0x0], $0xffff;
	[tilespmem:s9+$0x0] =	vst v8;
	v8 =	vadd.s32 $0x1F, v4  }
0xd3: {  	s16 =	sor.u32 s25, s15;
	s17 =	sadd.s32 $0x2B80, s22;
	v15 =	vadd.s32 $0x7, v16;
	v9 =	vld.idx.msk [tilespmem:v9+s2+$0x0], $0xffff;
	[tilespmem:s13+$0x0] =	vst v13  }
0xd4: {  	s5 =	sadd.s32 $0x3180, s12;
	s18 =	sor.u32 s21, s17;
	v13 =	vadd.s32 $0x13, v6;
	v5 =	vld.idx.msk [tilespmem:v5+s2+$0x0], $0xffff;
	[tilespmem:s16+$0x0] =	vst v11  }
0xd5: {  	s7 =	sor.u32 s1, s5;
	v11 =	vadd.s32 $0x1F, v3;
	v2 =	vld.idx.msk [tilespmem:v2+s2+$0x0], $0xffff;
	[tilespmem:s18+$0x0] =	vst v10  }
0xd6: {  	s3 =	sor.u32 s26, s15;
	v10 =	vld.idx.msk [tilespmem:v12+s2+$0x0], $0xffff;
	[tilespmem:s7+$0x0] =	vst v7;
	v7 =	vadd.s32 $0x8, v1  }
0xd7: {  	s8 =	sor.u32 s23, s17;
	[tilespmem:s3+$0x0] =	vst v14;
	v12 =	vadd.s32 $0x14, v0;
	v8 =	vld.idx.msk [tilespmem:v8+s2+$0x0], $0xffff  }
0xd8: {  	s9 =	sor.u32 s31, s5;
	s13 =	sadd.s32 $0x2600, s24;
	v14 =	vld.idx.msk [tilespmem:v15+s2+$0x0], $0xffff;
	[tilespmem:s8+$0x0] =	vst v9;
	v9 =	vadd.s32 $0x20, v4  }
0xd9: {  	s15 =	sor.u32 s25, s13;
	s16 =	sadd.s32 $0x2C00, s22;
	v15 =	vadd.s32 $0x8, v16;
	v13 =	vld.idx.msk [tilespmem:v13+s2+$0x0], $0xffff;
	[tilespmem:s9+$0x0] =	vst v5  }
0xda: {  	s17 =	sor.u32 s21, s16;
	s18 =	sadd.s32 $0x3200, s12;
	v5 =	vadd.s32 $0x14, v6;
	v11 =	vld.idx.msk [tilespmem:v11+s2+$0x0], $0xffff;
	[tilespmem:s15+$0x0] =	vst v2  }
0xdb: {  	s5 =	sor.u32 s1, s18;
	v2 =	vadd.s32 $0x20, v3;
	v7 =	vld.idx.msk [tilespmem:v7+s2+$0x0], $0xffff;
	[tilespmem:s17+$0x0] =	vst v10  }
0xdc: {  	s0 =	sor.u32 s26, s13;
	v10 =	vld.idx.msk [tilespmem:v12+s2+$0x0], $0xffff;
	[tilespmem:s5+$0x0] =	vst v8;
	v8 =	vadd.s32 $0x9, v1  }
0xdd: {  	s7 =	sor.u32 s23, s16;
	[tilespmem:s0+$0x0] =	vst v14;
	v12 =	vadd.s32 $0x15, v0;
	v9 =	vld.idx.msk [tilespmem:v9+s2+$0x0], $0xffff  }
0xde: {  	s8 =	sor.u32 s31, s18;
	s9 =	sadd.s32 $0x2680, s24;
	v14 =	vld.idx.msk [tilespmem:v15+s2+$0x0], $0xffff;
	[tilespmem:s7+$0x0] =	vst v13;
	v13 =	vadd.s32 $0x21, v4  }
0xdf: {  	s13 =	sor.u32 s25, s9;
	s15 =	sadd.s32 $0x2C80, s22;
	v15 =	vadd.s32 $0x9, v16;
	v5 =	vld.idx.msk [tilespmem:v5+s2+$0x0], $0xffff;
	[tilespmem:s8+$0x0] =	vst v11  }
0xe0: {  	s16 =	sor.u32 s21, s15;
	s17 =	sadd.s32 $0x3280, s12;
	v2 =	vld.idx.msk [tilespmem:v2+s2+$0x0], $0xffff;
	[tilespmem:s13+$0x0] =	vst v7  }
0xe1: {  	s18 =	sor.u32 s1, s17;
	v11 =	vadd.s32 $0x15, v6;
	v8 =	vld.idx.msk [tilespmem:v8+s2+$0x0], $0xffff;
	[tilespmem:s16+$0x0] =	vst v10  }
0xe2: {  	s3 =	sor.u32 s26, s9;
	v7 =	vadd.s32 $0x21, v3;
	v10 =	vld.idx.msk [tilespmem:v12+s2+$0x0], $0xffff;
	[tilespmem:s18+$0x0] =	vst v9  }
0xe3: {  	s5 =	sor.u32 s23, s15;
	[tilespmem:s3+$0x0] =	vst v14;
	v9 =	vadd.s32 $0xA, v1;
	v12 =	vld.idx.msk [tilespmem:v13+s2+$0x0], $0xffff  }
0xe4: {  	s13 =	simm.s32 $0x20F0;
	v13 =	vld.idx.msk [tilespmem:v15+s2+$0x0], $0xffff;
	[tilespmem:s5+$0x0] =	vst v5;
	v5 =	vadd.s32 $0x16, v0  }
0xe5: {  	s7 =	sor.u32 s31, s17;
	s8 =	sadd.s32 $0x2700, s24;
	v15 =	vld [tilespmem:s13+$0x0]  }
0xe6: {  	s15 =	sadd.s32 $0x2D00, s22;
	s9 =	sor.u32 s25, s8;
	v14 =	vadd.s32 $0xA, v16;
	v11 =	vld.idx.msk [tilespmem:v11+s2+$0x0], $0xffff;
	[tilespmem:s7+$0x0] =	vst v2  }
0xe7: {  	s17 =	sadd.s32 $0x3300, s12;
	s16 =	sor.u32 s21, s15;
	v2 =	vadd.s32 $0x22, v4;
	v7 =	vld.idx.msk [tilespmem:v7+s2+$0x0], $0xffff;
	[tilespmem:s9+$0x0] =	vst v8  }
0xe8: {  	s18 =	sor.u32 s1, s17;
	v8 =	vadd.s32 $0x16, v6;
	v9 =	vld.idx.msk [tilespmem:v9+s2+$0x0], $0xffff;
	[tilespmem:s16+$0x0] =	vst v10  }
0xe9: {  	s0 =	sor.u32 s26, s8;
	v10 =	vadd.s32 $0x22, v3;
	v5 =	vld.idx.msk [tilespmem:v5+s2+$0x0], $0xffff;
	[tilespmem:s18+$0x0] =	vst v12  }
0xea: {  	s5 =	sor.u32 s23, s15;
	v12 =	vadd.s32 $0xB, v1;
	[tilespmem:s0+$0x0] =	vst v13;
	v13 =	vld [tilespmem:s13+$0xFFFFFFF0]  }
0xeb: {  	v18 =	vadd.s32 $0x17, v0;
	[tilespmem:s5+$0x0] =	vst v11;
	v11 =	vld.idx.msk [tilespmem:v14+s2+$0x0], $0xffff  }
0xec: {  	v19 =	vadd.s32 $0xB, v16;
	s6 =	sor.u32 s31, s17;
	s7 =	sadd.s32 $0x2780, s24;
	v17 =	vld.idx.msk [tilespmem:v2+s2+$0x0], $0xffff  }
0xed: {  	s8 =	sor.u32 s25, s7;
	s9 =	sadd.s32 $0x2D80, s22;
	v14 =	vadd.s32 $0x23, v4;
	v2 =	vmul.u32 $0x29, v15;
	[tilespmem:s6+$0x0] =	vst v7;
	v7 =	vld.idx.msk [tilespmem:v8+s2+$0x0], $0xffff  }
0xee: {  	s13 =	sor.u32 s21, s9;
	[tilespmem:s8+$0x0] =	vst v9;
	v9 =	vld.idx.msk [tilespmem:v10+s2+$0x0], $0xffff  }
0xef: {  	s15 =	sadd.s32 $0x3380, s12;
	s3 =	sor.u32 s26, s7;
	v8 =	vadd.s32 $0x17, v6;
	v10 =	vld.idx.msk [tilespmem:v12+s2+$0x0], $0xffff;
	[tilespmem:s13+$0x0] =	vst v5  }
0xf0: {  	s16 =	sor.u32 s1, s15;
	v12 =	vadd.s32 $0xC, v1;
	v5 =	vld.idx.msk [tilespmem:v18+s2+$0x0], $0xffff;
	[tilespmem:s3+$0x0] =	vst v11  }
0xf1: {  	s17 =	sor.u32 s23, s9;
	v27 =	vmul.u32 $0x29, v13;
	v11 =	vadd.s32 $0x18, v0;
	[tilespmem:s16+$0x0] =	vst v17;
	v13 =	vld.idx.msk [tilespmem:v19+s2+$0x0], $0xffff  }
0xf2: {  	s7 =	simm.s32 $0x0;
	s18 =	sadd.s32 $0x2800, s24;
	s6 =	sor.u32 s31, s15;
	v14 =	vld.idx.msk [tilespmem:v14+s2+$0x0], $0xffff;
	[tilespmem:s17+$0x0] =	vst v7  }
0xf3: {  	s4 =	sor.u32 s25, s18;
	s5 =	sadd.s32 $0x2E00, s22;
	v15 =	vadd.s32 $0xC, v16;
	s13 =	smul.u32 $0x5200, s7;
	v17 =	vld.idx.msk [tilespmem:v2+s2+$0x0], $0xffff;
	[tilespmem:s6+$0x0] =	vst v9  }
0xf4: {  	s0 =	simm.s32 $0x70;
	s8 =	sor.u32 s21, s5;
	v7 =	vadd.s32 $0x24, v4;
	v8 =	vld.idx.msk [tilespmem:v8+s2+$0x0], $0xffff;
	[tilespmem:s4+$0x0] =	vst v10  }
0xf5: {  	s3 =	sor.u32 s26, s18;
	s16 =	sadd.s32 $0x3400, s12;
	s28 =	sshra.s32 s13, $0x2;
	v10 =	vadd.s32 $0x18, v6;
	v12 =	vld.idx.msk [tilespmem:v12+s2+$0x0], $0xffff;
	[tilespmem:s8+$0x0] =	vst v5  }
0xf6: {  	s29 =	sand.u32 $0x70, s0;
	s9 =	sor.u32 s1, s16;
	s13 =	sadd.s32 $0x2280, s28;
	v5 =	vadd.s32 $0x1, v2;
	v11 =	vld.idx.msk [tilespmem:v11+s2+$0x0], $0xffff;
	[tilespmem:s3+$0x0] =	vst v13  }
0xf7: {  	v9 =	vadd.s32 $0xD, v1;
	s8 =	sor.u32 s29, s13;
	[tilespmem:s9+$0x0] =	vst v14;
	v14 =	vld.idx.msk [tilespmem:v27+s2+$0x0], $0xffff  }
0xf8: {  	s4 =	sor.u32 s23, s5;
	v13 =	vadd.s32 $0x19, v0;
	v15 =	vld.idx.msk [tilespmem:v15+s2+$0x0], $0xffff;
	s9 =	sadd.s32 $0x2880, s24;
	[tilespmem:s8+$0x0] =	vst v17  }
0xf9: {  	s18 =	sadd.s32 $0x2E80, s22;
	v18 =	vadd.s32 $0x1, v27;
	s17 =	simm.s32 $0x60;
	v7 =	vld.idx.msk [tilespmem:v7+s2+$0x0], $0xffff;
	[tilespmem:s4+$0x0] =	vst v8;
	s15 =	sor.u32 s25, s9  }
0xfa: {  	s30 =	sand.u32 $0x60, s17;
	s5 =	sor.u32 s21, s18;
	v17 =	vadd.s32 $0xD, v16;
	v10 =	vld.idx.msk [tilespmem:v10+s2+$0x0], $0xffff;
	[tilespmem:s15+$0x0] =	vst v12  }
0xfb: {  	s6 =	sor.u32 s30, s13;
	v8 =	vadd.s32 $0x25, v4;
	v5 =	vld.idx.msk [tilespmem:v5+s2+$0x0], $0xffff;
	[tilespmem:s5+$0x0] =	vst v11  }
0xfc: {  	s8 =	sor.u32 s26, s9;
	s15 =	sadd.s32 $0x3480, s12;
	v12 =	vadd.s32 $0x19, v6;
	v9 =	vld.idx.msk [tilespmem:v9+s2+$0x0], $0xffff;
	[tilespmem:s6+$0x0] =	vst v14  }
0xfd: {  	s7 =	sor.u32 s1, s15;
	v11 =	vadd.s32 $0x2, v2;
	v13 =	vld.idx.msk [tilespmem:v13+s2+$0x0], $0xffff;
	[tilespmem:s8+$0x0] =	vst v15  }
0xfe: {  	s4 =	sor.u32 s23, s18;
	s9 =	sadd.s32 $0x2300, s28;
	[tilespmem:s7+$0x0] =	vst v7;
	v7 =	vadd.s32 $0xE, v1;
	v14 =	vld.idx.msk [tilespmem:v18+s2+$0x0], $0xffff  }
0xff: {  	s18 =	sadd.s32 $0x2900, s24;
	s17 =	sor.u32 s29, s9;
	v15 =	vadd.s32 $0x1A, v0;
	v17 =	vld.idx.msk [tilespmem:v17+s2+$0x0], $0xffff;
	[tilespmem:s4+$0x0] =	vst v10  }
0x100: {  	s5 =	sadd.s32 $0x2F00, s22;
	v18 =	vadd.s32 $0x2, v27;
	v8 =	vld.idx.msk [tilespmem:v8+s2+$0x0], $0xffff;
	s4 =	sor.u32 s25, s18;
	[tilespmem:s17+$0x0] =	vst v5  }
0x101: {  	s7 =	sor.u32 s21, s5;
	v10 =	vadd.s32 $0x26, v4;
	v5 =	vld.idx.msk [tilespmem:v12+s2+$0x0], $0xffff;
	[tilespmem:s4+$0x0] =	vst v9  }
0x102: {  	s13 =	sor.u32 s30, s9;
	v12 =	vadd.s32 $0xE, v16;
	v11 =	vld.idx.msk [tilespmem:v11+s2+$0x0], $0xffff;
	[tilespmem:s7+$0x0] =	vst v13  }
0x103: {  	s9 =	sor.u32 s26, s18;
	s6 =	sadd.s32 $0x3500, s12;
	v9 =	vadd.s32 $0x1A, v6;
	v7 =	vld.idx.msk [tilespmem:v7+s2+$0x0], $0xffff;
	[tilespmem:s13+$0x0] =	vst v14  }
0x104: {  	s8 =	sor.u32 s1, s6;
	v13 =	vadd.s32 $0x3, v2;
	v15 =	vld.idx.msk [tilespmem:v15+s2+$0x0], $0xffff;
	[tilespmem:s9+$0x0] =	vst v17  }
0x105: {  	s17 =	sadd.s32 $0x2380, s28;
	s4 =	sor.u32 s23, s5;
	[tilespmem:s8+$0x0] =	vst v8;
	v8 =	vadd.s32 $0xF, v1;
	v14 =	vld.idx.msk [tilespmem:v18+s2+$0x0], $0xffff  }
0x106: {  	v17 =	vadd.s32 $0x1B, v0;
	s9 =	sadd.s32 $0x2980, s24;
	s8 =	sor.u32 s29, s17;
	v10 =	vld.idx.msk [tilespmem:v10+s2+$0x0], $0xffff;
	[tilespmem:s4+$0x0] =	vst v5  }
0x107: {  	s18 =	sadd.s32 $0x2F80, s22;
	v18 =	vadd.s32 $0x3, v27;
	s5 =	sor.u32 s25, s9;
	v12 =	vld.idx.msk [tilespmem:v12+s2+$0x0], $0xffff;
	[tilespmem:s8+$0x0] =	vst v11  }
0x108: {  	s7 =	sor.u32 s21, s18;
	v5 =	vadd.s32 $0x27, v4;
	v9 =	vld.idx.msk [tilespmem:v9+s2+$0x0], $0xffff;
	[tilespmem:s5+$0x0] =	vst v7  }
0x109: {  	s13 =	sor.u32 s30, s17;
	s4 =	sadd.s32 $0x3580, s12;
	v11 =	vadd.s32 $0xF, v16;
	v13 =	vld.idx.msk [tilespmem:v13+s2+$0x0], $0xffff;
	[tilespmem:s7+$0x0] =	vst v15  }
0x10a: {  	s8 =	sor.u32 s1, s4;
	v7 =	vadd.s32 $0x1B, v6;
	v8 =	vld.idx.msk [tilespmem:v8+s2+$0x0], $0xffff;
	[tilespmem:s13+$0x0] =	vst v14  }
0x10b: {  	s9 =	sor.u32 s26, s9;
	v15 =	vadd.s32 $0x4, v2;
	v17 =	vld.idx.msk [tilespmem:v17+s2+$0x0], $0xffff;
	[tilespmem:s8+$0x0] =	vst v10  }
0x10c: {  	s17 =	sadd.s32 $0x2400, s28;
	s5 =	sor.u32 s23, s18;
	v10 =	vadd.s32 $0x10, v1;
	v14 =	vld.idx.msk [tilespmem:v18+s2+$0x0], $0xffff;
	[tilespmem:s9+$0x0] =	vst v12  }
0x10d: {  	s7 =	sor.u32 s29, s17;
	s18 =	sadd.s32 $0x2A00, s24;
	v12 =	vadd.s32 $0x1C, v0;
	v5 =	vld.idx.msk [tilespmem:v5+s2+$0x0], $0xffff;
	[tilespmem:s5+$0x0] =	vst v9  }
0x10e: {  	s8 =	sor.u32 s25, s18;
	s9 =	sadd.s32 $0x3000, s22;
	v11 =	vld.idx.msk [tilespmem:v11+s2+$0x0], $0xffff;
	v9 =	vadd.s32 $0x4, v27;
	[tilespmem:s7+$0x0] =	vst v13  }
0x10f: {  	v4 =	vadd.s32 $0x28, v4;
	s7 =	sor.u32 s21, s9;
	v7 =	vld.idx.msk [tilespmem:v7+s2+$0x0], $0xffff;
	[tilespmem:s8+$0x0] =	vst v8  }
0x110: {  	s3 =	sadd.s32 $0x3600, s12;
	s17 =	sor.u32 s30, s17;
	v13 =	vadd.s32 $0x10, v16;
	v15 =	vld.idx.msk [tilespmem:v15+s2+$0x0], $0xffff;
	[tilespmem:s7+$0x0] =	vst v17  }
0x111: {  	s5 =	sor.u32 s1, s3;
	v8 =	vadd.s32 $0x1C, v6;
	v10 =	vld.idx.msk [tilespmem:v10+s2+$0x0], $0xffff;
	[tilespmem:s17+$0x0] =	vst v14  }
0x112: {  	v17 =	vadd.s32 $0x23, v3;
	s8 =	sor.u32 s26, s18;
	v12 =	vld.idx.msk [tilespmem:v12+s2+$0x0], $0xffff;
	[tilespmem:s5+$0x0] =	vst v5  }
0x113: {  	s13 =	sor.u32 s23, s9;
	s17 =	sadd.s32 $0x2480, s28;
	v5 =	vadd.s32 $0x5, v2;
	v9 =	vld.idx.msk [tilespmem:v9+s2+$0x0], $0xffff;
	[tilespmem:s8+$0x0] =	vst v11  }
0x114: {  	s18 =	sadd.s32 $0x2A80, s24;
	v11 =	vadd.s32 $0x11, v1;
	s9 =	sor.u32 s29, s17;
	v4 =	vld.idx.msk [tilespmem:v4+s2+$0x0], $0xffff;
	[tilespmem:s13+$0x0] =	vst v7  }
0x115: {  	v14 =	vadd.s32 $0x5, v27;
	s5 =	sor.u32 s25, s18;
	s8 =	sadd.s32 $0x3080, s22;
	v13 =	vld.idx.msk [tilespmem:v13+s2+$0x0], $0xffff;
	[tilespmem:s9+$0x0] =	vst v15  }
0x116: {  	v7 =	vadd.s32 $0x1D, v0;
	s9 =	sor.u32 s21, s8;
	v8 =	vld.idx.msk [tilespmem:v8+s2+$0x0], $0xffff;
	[tilespmem:s5+$0x0] =	vst v10  }
0x117: {  	s17 =	sor.u32 s30, s17;
	v15 =	vadd.s32 $0x11, v16;
	s13 =	sadd.s32 $0x3680, s12;
	v10 =	vld.idx.msk [tilespmem:v17+s2+$0x0], $0xffff;
	[tilespmem:s9+$0x0] =	vst v12  }
0x118: {  	s1 =	sor.u32 s1, s13;
	v12 =	vadd.s32 $0x1D, v6;
	v5 =	vld.idx.msk [tilespmem:v5+s2+$0x0], $0xffff;
	[tilespmem:s17+$0x0] =	vst v9  }
0x119: {  	s5 =	sor.u32 s26, s18;
	v11 =	vld.idx.msk [tilespmem:v11+s2+$0x0], $0xffff;
	[tilespmem:s1+$0x0] =	vst v4;
	v4 =	vadd.s32 $0x24, v3  }
0x11a: {  	s8 =	sor.u32 s23, s8;
	v9 =	vadd.s32 $0x6, v2;
	v14 =	vld.idx.msk [tilespmem:v14+s2+$0x0], $0xffff;
	[tilespmem:s5+$0x0] =	vst v13  }
0x11b: {  	s12 =	sadd.s32 $0x2500, s28;
	s9 =	sor.u32 s31, s16;
	v13 =	vadd.s32 $0x12, v1;
	v7 =	vld.idx.msk [tilespmem:v7+s2+$0x0], $0xffff;
	[tilespmem:s8+$0x0] =	vst v8  }
0x11c: {  	v17 =	vadd.s32 $0x6, v27;
	s18 =	sor.u32 s29, s12;
	s5 =	sadd.s32 $0x2B00, s24;
	v15 =	vld.idx.msk [tilespmem:v15+s2+$0x0], $0xffff;
	[tilespmem:s9+$0x0] =	vst v10  }
0x11d: {  	v8 =	vadd.s32 $0x1E, v0;
	v12 =	vld.idx.msk [tilespmem:v12+s2+$0x0], $0xffff;
	s9 =	sor.u32 s25, s5;
	[tilespmem:s18+$0x0] =	vst v5  }
0x11e: {  	v19 =	vadd.s32 $0x12, v16;
	s16 =	sadd.s32 $0x3100, s22;
	[tilespmem:s9+$0x0] =	vst v11;
	s18 =	sor.u32 s30, s12;
	v20 =	vld.idx.msk [tilespmem:v4+s2+$0x0], $0xffff  }
0x11f: {  	v29 =	vadd.s32 $0x28, v3;
	s17 =	sor.u32 s21, s16;
	v10 =	vadd.s32 $0x25, v3;
	v9 =	vld.idx.msk [tilespmem:v9+s2+$0x0], $0xffff;
	[tilespmem:s18+$0x0] =	vst v14  }
0x120: {  	v18 =	vadd.s32 $0x26, v3;
	s5 =	sor.u32 s26, s5;
	v5 =	vadd.s32 $0x27, v3;
	v3 =	vadd.s32 $0x1E, v6;
	v13 =	vld.idx.msk [tilespmem:v13+s2+$0x0], $0xffff;
	[tilespmem:s17+$0x0] =	vst v7  }
0x121: {  	v33 =	vadd.s32 $0x22, v6;
	s7 =	sor.u32 s23, s16;
	v17 =	vld.idx.msk [tilespmem:v17+s2+$0x0], $0xffff;
	[tilespmem:s5+$0x0] =	vst v15  }
0x122: {  	v31 =	vadd.s32 $0x23, v6;
	v28 =	vadd.s32 $0x24, v6;
	s9 =	sor.u32 s31, s15;
	s12 =	sadd.s32 $0x2580, s28;
	v14 =	vadd.s32 $0x7, v2;
	v8 =	vld.idx.msk [tilespmem:v8+s2+$0x0], $0xffff;
	[tilespmem:s7+$0x0] =	vst v12  }
0x123: {  	v26 =	vadd.s32 $0x25, v6;
	v25 =	vadd.s32 $0x26, v6;
	s15 =	sor.u32 s29, s12;
	v15 =	vadd.s32 $0x13, v1;
	v19 =	vld.idx.msk [tilespmem:v19+s2+$0x0], $0xffff;
	[tilespmem:s9+$0x0] =	vst v20  }
0x124: {  	v24 =	vadd.s32 $0x27, v6;
	s16 =	sadd.s32 $0x2B80, s24;
	v12 =	vadd.s32 $0x1F, v0;
	[tilespmem:s15+$0x0] =	vst v9;
	v9 =	vld.idx.msk [tilespmem:v10+s2+$0x0], $0xffff;
	v10 =	vadd.s32 $0x19, v16  }
0x125: {  	v23 =	vadd.s32 $0x28, v6;
	v21 =	vadd.s32 $0x7, v27;
	v11 =	vadd.s32 $0x20, v6;
	s18 =	sadd.s32 $0x3180, s22;
	s17 =	sor.u32 s25, s16;
	v3 =	vld.idx.msk [tilespmem:v3+s2+$0x0], $0xffff;
	[tilespmem:$0x1FF50] =	vst v10  }
0x126: {  	v4 =	vadd.s32 $0x21, v6;
	v7 =	vadd.s32 $0x1F, v6;
	v6 =	vadd.s32 $0x13, v16;
	s5 =	sor.u32 s21, s18;
	[tilespmem:s17+$0x0] =	vst v13  }
0x127: {  	s8 =	sor.u32 s30, s12;
	v10 =	vld.idx.msk [tilespmem:v14+s2+$0x0], $0xffff;
	[tilespmem:s5+$0x0] =	vst v8  }
0x128: {  	s9 =	sor.u32 s26, s16;
	[tilespmem:s8+$0x0] =	vst v17;
	v8 =	vld.idx.msk [tilespmem:v15+s2+$0x0], $0xffff  }
0x129: {  	s12 =	sor.u32 s23, s18;
	[tilespmem:s9+$0x0] =	vst v19;
	v12 =	vld.idx.msk [tilespmem:v12+s2+$0x0], $0xffff  }
0x12a: {  	s6 =	sor.u32 s31, s6;
	s15 =	sadd.s32 $0x2600, s28;
	v14 =	vld.idx.msk [tilespmem:v21+s2+$0x0], $0xffff;
	[tilespmem:s12+$0x0] =	vst v3  }
0x12b: {  	s16 =	sor.u32 s29, s15;
	v13 =	vadd.s32 $0x8, v2;
	v6 =	vld.idx.msk [tilespmem:v6+s2+$0x0], $0xffff;
	[tilespmem:s6+$0x0] =	vst v9  }
0x12c: {  	s17 =	sadd.s32 $0x2C00, s24;
	v7 =	vld.idx.msk [tilespmem:v7+s2+$0x0], $0xffff;
	[tilespmem:s16+$0x0] =	vst v10;
	v10 =	vadd.s32 $0xA, v27  }
0x12d: {  	s5 =	sadd.s32 $0x3200, s22;
	s18 =	sor.u32 s25, s17;
	v9 =	vld.idx.msk [tilespmem:v18+s2+$0x0], $0xffff;
	[tilespmem:$0x1FF60] =	vst v10  }
0x12e: {  	v15 =	vadd.s32 $0x14, v1;
	s9 =	sor.u32 s21, s5;
	[tilespmem:s18+$0x0] =	vst v8  }
0x12f: {  	[tilespmem:s9+$0x0] =	vst v12;
	v8 =	vadd.s32 $0xB, v27  }
0x130: {  	v10 =	vld.idx.msk [tilespmem:v13+s2+$0x0], $0xffff;
	[tilespmem:$0x1FF70] =	vst v8;
	v8 =	vadd.s32 $0xC, v27  }
0x131: {  	v22 =	vadd.s32 $0x15, v16;
	v3 =	vadd.s32 $0x20, v0;
	[tilespmem:$0x1FF80] =	vst v8;
	v8 =	vadd.s32 $0xD, v27  }
0x132: {  	v52 =	vadd.s32 $0x16, v16;
	v44 =	vadd.s32 $0x17, v16;
	v12 =	vadd.s32 $0xE, v27;
	[tilespmem:$0x1FF90] =	vst v8  }
0x133: {  	v43 =	vadd.s32 $0x18, v16;
	v62 =	vadd.s32 $0x1A, v16;
	v8 =	vld.idx.msk [tilespmem:v15+s2+$0x0], $0xffff;
	[tilespmem:$0x1FFA0] =	vst v12;
	v12 =	vadd.s32 $0xF, v27  }
0x134: {  	v48 =	vadd.s32 $0x1B, v16;
	v47 =	vadd.s32 $0x1C, v16;
	v17 =	vadd.s32 $0x8, v27;
	s12 =	sor.u32 s30, s15;
	[tilespmem:$0x1FFB0] =	vst v12  }
0x135: {  	v45 =	vadd.s32 $0x1D, v16;
	v20 =	vadd.s32 $0x14, v16;
	v13 =	vadd.s32 $0x10, v27;
	[tilespmem:s12+$0x0] =	vst v14  }
0x136: {  	v42 =	vadd.s32 $0x1E, v16;
	v41 =	vadd.s32 $0x1F, v16;
	v3 =	vld.idx.msk [tilespmem:v3+s2+$0x0], $0xffff;
	[tilespmem:$0x1FFC0] =	vst v13;
	v13 =	vadd.s32 $0x11, v27  }
0x137: {  	v40 =	vadd.s32 $0x20, v16;
	v38 =	vadd.s32 $0x21, v16;
	v36 =	vadd.s32 $0x22, v16;
	s15 =	sor.u32 s26, s17;
	[tilespmem:$0x1FFD0] =	vst v13  }
0x138: {  	v35 =	vadd.s32 $0x23, v16;
	v34 =	vadd.s32 $0x24, v16;
	v32 =	vadd.s32 $0x25, v16;
	s16 =	sor.u32 s23, s5;
	[tilespmem:s15+$0x0] =	vst v6  }
0x139: {  	v30 =	vadd.s32 $0x26, v16;
	v63 =	vadd.s32 $0x12, v27;
	s4 =	sor.u32 s31, s4;
	v12 =	vadd.s32 $0x9, v2;
	v13 =	vld.idx.msk [tilespmem:v17+s2+$0x0], $0xffff;
	[tilespmem:s16+$0x0] =	vst v7  }
0x13a: {  	v59 =	vadd.s32 $0x13, v27;
	v15 =	vadd.s32 $0x21, v0;
	[tilespmem:s4+$0x0] =	vst v9;
	v7 =	vadd.s32 $0x17, v27;
	v14 =	vld.idx.msk [tilespmem:v20+s2+$0x0], $0xffff  }
0x13b: {  	v58 =	vadd.s32 $0x14, v27;
	s17 =	sadd.s32 $0x2680, s28;
	v6 =	vadd.s32 $0x15, v1;
	v17 =	vld.idx.msk [tilespmem:v11+s2+$0x0], $0xffff;
	[tilespmem:$0x1FFE0] =	vst v7;
	v7 =	vadd.s32 $0x19, v27  }
0x13c: {  	v19 =	vadd.s32 $0x28, v16;
	v21 =	vadd.s32 $0x27, v16;
	v16 =	vadd.s32 $0x9, v27;
	s18 =	sor.u32 s29, s17;
	s9 =	sadd.s32 $0x3280, s22;
	[tilespmem:$0x1FFF0] =	vst v7  }
0x13d: {  	v57 =	vadd.s32 $0x15, v27;
	v61 =	vadd.s32 $0x16, v27;
	v60 =	vadd.s32 $0x18, v27;
	s5 =	sadd.s32 $0x2C80, s24;
	s15 =	sor.u32 s21, s9;
	[tilespmem:s18+$0x0] =	vst v10;
	v5 =	vld.idx.msk [tilespmem:v5+s2+$0x0], $0xffff  }
0x13e: {  	v55 =	vadd.s32 $0x1A, v27;
	v54 =	vadd.s32 $0x1B, v27;
	v53 =	vadd.s32 $0x1C, v27;
	s8 =	sor.u32 s25, s5;
	[tilespmem:s15+$0x0] =	vst v3;
	v10 =	vld.idx.msk [tilespmem:v12+s2+$0x0], $0xffff  }
0x13f: {  	v51 =	vadd.s32 $0x1D, v27;
	v50 =	vadd.s32 $0x1E, v27;
	v49 =	vadd.s32 $0x1F, v27;
	s16 =	sor.u32 s30, s17;
	[tilespmem:s8+$0x0] =	vst v8;
	v3 =	vld.idx.msk [tilespmem:v15+s2+$0x0], $0xffff  }
0x140: {  	v56 =	vadd.s32 $0x22, v27;
	v46 =	vadd.s32 $0x23, v27;
	v39 =	vadd.s32 $0x24, v27;
	s17 =	sor.u32 s26, s5;
	v7 =	vld.idx.msk [tilespmem:v6+s2+$0x0], $0xffff;
	[tilespmem:s16+$0x0] =	vst v13  }
0x141: {  	v37 =	vadd.s32 $0x25, v27;
	s3 =	sor.u32 s31, s3;
	v18 =	vadd.s32 $0x20, v27;
	v9 =	vadd.s32 $0x16, v1;
	s18 =	sor.u32 s23, s9;
	[tilespmem:s17+$0x0] =	vst v14;
	v11 =	vld.idx.msk [tilespmem:v16+s2+$0x0], $0xffff  }
0x142: {  	s1 =	sor.u32 s31, s13;
	s31 =	simm.s32 $0x2110;
	s6 =	sadd.s32 $0x2700, s28;
	v20 =	vadd.s32 $0x26, v27;
	v15 =	vadd.s32 $0x28, v27;
	v12 =	vadd.s32 $0xA, v2;
	[tilespmem:s18+$0x0] =	vst v17;
	v8 =	vld.idx.msk [tilespmem:v22+s2+$0x0], $0xffff  }
0x143: {  	s13 =	sor.u32 s29, s6;
	s12 =	simm.s32 $0x6;
	v13 =	vadd.s32 $0x21, v27;
	v6 =	vadd.s32 $0x22, v0;
	v17 =	vadd.s32 $0x27, v27;
	[tilespmem:s3+$0x0] =	vst v5;
	s3 =	sadd.s32 $0x2D00, s24;
	v5 =	vld.idx.msk [tilespmem:v4+s2+$0x0], $0xffff  }
.LBB2_2:
0x144: {  	_ = 	snop  }
0x145: {  	[tilespmem:$0x1FD80] =	vst v53  }
0x146: {  	[tilespmem:$0x1FDE0] =	vst v26  }
0x147: {  	v4 =	vld [tilespmem:s31+$0x0];
	[tilespmem:s13+$0x0] =	vst v10;
	s9 =	sor.u32 s25, s3  }
0x148: {  	s4 =	sor.u32 s30, s6;
	s7 =	sadd.s32 $0x3300, s22;
	v10 =	vld.idx.msk [tilespmem:v12+s2+$0x0], $0xffff;
	[tilespmem:s9+$0x0] =	vst v7  }
0x149: {  	s15 =	sor.u32 s23, s7;
	s7 =	sor.u32 s21, s7;
	[tilespmem:s4+$0x0] =	vst v11;
	v11 =	vld [tilespmem:$0x1FF60]  }
0x14a: {  	v7 =	vld.idx.msk [tilespmem:v9+s2+$0x0], $0xffff;
	[tilespmem:s7+$0x0] =	vst v3;
	v3 =	vadd.s32 $0xB, v2  }
0x14b: {  	[tilespmem:$0x1FE30] =	vst v30  }
0x14c: {  	[tilespmem:$0x1FEF0] =	vst v57;
	s16 =	sadd.s32 $0x2780, s28  }
0x14d: {  	[tilespmem:$0x1FE90] =	vst v18;
	s13 =	sor.u32 s26, s3;
	s3 =	sor.u32 s29, s16;
	v9 =	vld [tilespmem:s31+$0xFFFFFFF0]  }
0x14e: {  	v6 =	vld.idx.msk [tilespmem:v6+s2+$0x0], $0xffff;
	[tilespmem:s3+$0x0] =	vst v10  }
0x14f: {  	[tilespmem:s13+$0x0] =	vst v8;
	v18 =	vmul.u32 $0x29, v4;
	v4 =	vld.idx.msk [tilespmem:v3+s2+$0x0], $0xffff;
	v3 =	vmov v19  }
0x150: {  	v8 =	vadd.s32 $0x17, v1;
	[tilespmem:$0x1FDA0] =	vst v3;
	v3 =	vld [tilespmem:$0x1FF70]  }
0x151: {  	[tilespmem:$0x1FEB0] =	vst v21  }
0x152: {  	[tilespmem:$0x1FEC0] =	vst v17;
	s18 =	sadd.s32 $0x2D80, s24;
	v11 =	vld.idx.msk [tilespmem:v11+s2+$0x0], $0xffff  }
0x153: {  	[tilespmem:$0x1FF30] =	vst v13;
	s6 =	sor.u32 s25, s18  }
0x154: {  	[tilespmem:s6+$0x0] =	vst v7  }
0x155: {  	v13 =	vmov v61;
	v8 =	vld.idx.msk [tilespmem:v8+s2+$0x0], $0xffff;
	[tilespmem:s15+$0x0] =	vst v5;
	v5 =	vadd.s32 $0x23, v0  }
0x156: {  	s8 =	sadd.s32 $0x3380, s22;
	s17 =	sor.u32 s30, s16;
	[tilespmem:$0x1FDC0] =	vst v13;
	v12 =	vld.idx.msk [tilespmem:v52+s2+$0x0], $0xffff  }
0x157: {  	s7 =	sor.u32 s21, s8;
	v61 =	vmul.u32 $0x29, v9;
	v10 =	vld.idx.msk [tilespmem:v33+s2+$0x0], $0xffff;
	[tilespmem:s17+$0x0] =	vst v11  }
0x158: {  	[tilespmem:s7+$0x0] =	vst v6;
	v14 =	vld.idx.msk [tilespmem:v3+s2+$0x0], $0xffff;
	v3 =	vmov v15  }
0x159: {  	[tilespmem:$0x1FDD0] =	vst v3;
	v3 =	vadd.s32 $0x6, v61  }
0x15a: {  	v6 =	vadd.s32 $0xC, v2;
	v5 =	vld.idx.msk [tilespmem:v5+s2+$0x0], $0xffff;
	[tilespmem:$0x1FDB0] =	vst v3;
	v3 =	vadd.s32 $0x7, v61  }
0x15b: {  	s5 =	sor.u32 s26, s18;
	v11 =	vadd.s32 $0x18, v1;
	[tilespmem:$0x1FDF0] =	vst v3;
	v3 =	vld [tilespmem:$0x1FFE0]  }
0x15c: {  	s9 =	sor.u32 s23, s8;
	s13 =	sadd.s32 $0x2800, s28;
	v13 =	vld.idx.msk [tilespmem:v29+s2+$0x0], $0xffff;
	[tilespmem:s5+$0x0] =	vst v12  }
0x15d: {  	s16 =	sadd.s32 $0x2E00, s24;
	s15 =	sor.u32 s29, s13;
	v19 =	vld.idx.msk [tilespmem:v44+s2+$0x0], $0xffff;
	[tilespmem:s9+$0x0] =	vst v10  }
0x15e: {  	s18 =	sor.u32 s25, s16;
	s8 =	sadd.s32 $0x3400, s22;
	v10 =	vld.idx.msk [tilespmem:v18+s2+$0x0], $0xffff;
	[tilespmem:s15+$0x0] =	vst v4  }
0x15f: {  	s5 =	sor.u32 s21, s8;
	v6 =	vld.idx.msk [tilespmem:v6+s2+$0x0], $0xffff;
	[tilespmem:s18+$0x0] =	vst v8  }
0x160: {  	v26 =	vld.idx.msk [tilespmem:v11+s2+$0x0], $0xffff;
	[tilespmem:s5+$0x0] =	vst v5;
	v7 =	vmov v3;
	v3 =	vadd.s32 $0x8, v61  }
0x161: {  	[tilespmem:$0x1FE50] =	vst v3;
	v3 =	vadd.s32 $0x9, v61  }
0x162: {  	[tilespmem:$0x1FED0] =	vst v3;
	v3 =	vadd.s32 $0xA, v61  }
0x163: {  	v17 =	vadd.s32 $0x24, v0;
	s12 =	sadd.s32 $0x2, s12;
	[tilespmem:$0x1FF60] =	vst v3;
	v3 =	vadd.s32 $0xB, v61  }
0x164: {  	s17 =	sshrl.u32 s12, $0x3;
	[tilespmem:$0x1FF70] =	vst v3;
	v3 =	vadd.s32 $0x13, v61  }
0x165: {  	s6 =	smul.u32 $0x5200, s17;
	[tilespmem:$0x1FE10] =	vst v3;
	v3 =	vadd.s32 $0x14, v61  }
0x166: {  	s0 =	sadd.s32 $0x20, s0;
	v21 =	vadd.s32 $0x1, v18;
	[tilespmem:$0x1FE70] =	vst v3;
	v3 =	vadd.s32 $0x15, v61  }
0x167: {  	s4 =	sor.u32 s30, s13;
	s7 =	sor.u32 s26, s16;
	v44 =	vadd.s32 $0xD, v2;
	s18 =	sshra.s32 s6, $0x2;
	[tilespmem:$0x1FF00] =	vst v3;
	v3 =	vld [tilespmem:$0x1FF80]  }
0x168: {  	[tilespmem:$0x1FE80] =	vst v40;
	v30 =	vadd.s32 $0x19, v1;
	s13 =	sor.u32 s23, s8;
	s6 =	sand.u32 $0x70, s0;
	s15 =	sadd.s32 $0x2280, s18;
	v17 =	vld.idx.msk [tilespmem:v17+s2+$0x0], $0xffff  }
0x169: {  	s17 =	sadd.s32 $0x2880, s28;
	s9 =	sadd.s32 $0xFFFFFFF0, s0;
	v5 =	vmov v32;
	v32 =	vadd.s32 $0x25, v0;
	[tilespmem:s1+$0x0] =	vst v13;
	s16 =	sor.u32 s6, s15  }
0x16a: {  	s8 =	sor.u32 s29, s17;
	s3 =	sand.u32 $0x60, s9;
	s9 =	sadd.s32 $0x2E80, s24;
	v13 =	vld.idx.msk [tilespmem:v61+s2+$0x0], $0xffff;
	[tilespmem:s16+$0x0] =	vst v10  }
0x16b: {  	v53 =	vmov v47;
	v47 =	vmov v36;
	s5 =	sor.u32 s3, s15;
	s15 =	sor.u32 s25, s9;
	s16 =	sadd.s32 $0x3480, s22;
	v36 =	vld.idx.msk [tilespmem:v21+s2+$0x0], $0xffff;
	[tilespmem:s8+$0x0] =	vst v6  }
0x16c: {  	v40 =	vmovc v60;
	v60 =	vmov v55;
	v55 =	vmov v62;
	v9 =	vadd.s32 $0x1, v61;
	v62 =	vld.idx.msk [tilespmem:v44+s2+$0x0], $0xffff;
	[tilespmem:s15+$0x0] =	vst v26;
	s15 =	sor.u32 s23, s16;
	s16 =	sor.u32 s21, s16  }
0x16d: {  	v30 =	vld.idx.msk [tilespmem:v30+s2+$0x0], $0xffff;
	[tilespmem:s16+$0x0] =	vst v17  }
0x16e: {  	[tilespmem:s4+$0x0] =	vst v14;
	v32 =	vld.idx.msk [tilespmem:v32+s2+$0x0], $0xffff  }
0x16f: {  	v57 =	vmov v51;
	v51 =	vmov v46;
	v46 =	vmov v31;
	v31 =	vld.idx.msk [tilespmem:v3+s2+$0x0], $0xffff;
	[tilespmem:s7+$0x0] =	vst v19  }
0x170: {  	s4 =	sor.u32 s30, s17;
	s17 =	sadd.s32 $0x2300, s18;
	v33 =	vld.idx.msk [tilespmem:v43+s2+$0x0], $0xffff;
	[tilespmem:s5+$0x0] =	vst v13  }
0x171: {  	[tilespmem:$0x1FF10] =	vst v38;
	v4 =	vadd.s32 $0xC, v61;
	s1 =	sor.u32 s6, s17;
	v38 =	vld.idx.msk [tilespmem:v9+s2+$0x0], $0xffff  }
0x172: {  	[tilespmem:s1+$0x0] =	vst v36;
	v3 =	vmov v4;
	v9 =	vld [tilespmem:$0x1FF90]  }
0x173: {  	[tilespmem:$0x1FF80] =	vst v3;
	v3 =	vadd.s32 $0x16, v61  }
0x174: {  	v36 =	vld [tilespmem:$0x1FFF0];
	[tilespmem:$0x1FEE0] =	vst v3;
	v3 =	vadd.s32 $0x17, v61;
	_ =	sdelay $0x2  }
0x175: {  	[tilespmem:$0x1FFE0] =	vst v3;
	v3 =	vmov v63;
	v63 =	vadd.s32 $0x2, v18  }
0x176: {  	[tilespmem:$0x1FE00] =	vst v59  }
0x177: {  	v59 =	vmovc v54;
	v54 =	vmov v48;
	v48 =	vmov v56;
	v44 =	vmov v36;
	[tilespmem:s4+$0x0] =	vst v31  }
0x178: {  	v56 =	vmovc v50;
	v50 =	vmovc v39;
	v52 =	vmov v42;
	v42 =	vmov v34;
	v29 =	vadd.s32 $0xD, v61;
	s8 =	sor.u32 s26, s9;
	v39 =	vld.idx.msk [tilespmem:v9+s2+$0x0], $0xffff  }
0x179: {  	v34 =	vadd.s32 $0x19, v61;
	v43 =	vmovc v49;
	v49 =	vmovc v37;
	v37 =	vadd.s32 $0xE, v2;
	s5 =	sadd.s32 $0x2900, s28;
	[tilespmem:s8+$0x0] =	vst v33;
	v9 =	vmov v29;
	v29 =	vld [tilespmem:$0x1FF50]  }
0x17a: {  	s7 =	sor.u32 s29, s5;
	v31 =	vadd.s32 $0x1A, v1;
	[tilespmem:$0x1FF50] =	vst v44;
	v44 =	vmov v34;
	v34 =	vld.idx.msk [tilespmem:v63+s2+$0x0], $0xffff  }
0x17b: {  	v33 =	vadd.s32 $0x26, v0;
	[tilespmem:s7+$0x0] =	vst v62;
	v62 =	vld [tilespmem:$0x1FFA0]  }
0x17c: {  	[tilespmem:$0x1FD90] =	vst v45;
	s4 =	sor.u32 s3, s17;
	s17 =	sadd.s32 $0x2F00, s24  }
0x17d: {  	[tilespmem:$0x1FE20] =	vst v25;
	v25 =	vadd.s32 $0x2, v61;
	s7 =	sor.u32 s26, s17;
	s8 =	sor.u32 s25, s17;
	s17 =	sadd.s32 $0x3500, s22  }
0x17e: {  	s9 =	sor.u32 s30, s5;
	v36 =	vld.idx.msk [tilespmem:v37+s2+$0x0], $0xffff;
	[tilespmem:s8+$0x0] =	vst v30;
	s5 =	sor.u32 s21, s17  }
0x17f: {  	v31 =	vld.idx.msk [tilespmem:v31+s2+$0x0], $0xffff;
	[tilespmem:s5+$0x0] =	vst v32  }
0x180: {  	[tilespmem:$0x1FE60] =	vst v58;
	v30 =	vadd.s32 $0x3, v18;
	v33 =	vld.idx.msk [tilespmem:v33+s2+$0x0], $0xffff  }
0x181: {  	v29 =	vld.idx.msk [tilespmem:v29+s2+$0x0], $0xffff;
	[tilespmem:s4+$0x0] =	vst v38  }
0x182: {  	s8 =	sadd.s32 $0x2380, s18;
	v32 =	vadd.s32 $0xF, v2;
	v25 =	vld.idx.msk [tilespmem:v25+s2+$0x0], $0xffff;
	[tilespmem:s9+$0x0] =	vst v39  }
0x183: {  	v58 =	vadd.s32 $0x18, v61;
	[tilespmem:$0x1FFF0] =	vst v44;
	s4 =	sor.u32 s6, s8;
	s9 =	sadd.s32 $0x2980, s28;
	v38 =	vld.idx.msk [tilespmem:v62+s2+$0x0], $0xffff  }
0x184: {  	s16 =	sor.u32 s23, s17;
	v44 =	vadd.s32 $0x1B, v1;
	[tilespmem:s4+$0x0] =	vst v34;
	s17 =	sor.u32 s29, s9;
	v62 =	vmov v60;
	v60 =	vmov v58;
	v58 =	vld [tilespmem:$0x1FFB0]  }
0x185: {  	v22 =	vadd.s32 $0x3, v61;
	v30 =	vld.idx.msk [tilespmem:v30+s2+$0x0], $0xffff;
	[tilespmem:s17+$0x0] =	vst v36  }
0x186: {  	s5 =	sadd.s32 $0x2F80, s24;
	[tilespmem:s7+$0x0] =	vst v29;
	v29 =	vadd.s32 $0x27, v0  }
0x187: {  	[tilespmem:$0x1FF20] =	vst v7;
	v7 =	vmov v28;
	v28 =	vadd.s32 $0xE, v61;
	s1 =	sor.u32 s3, s8;
	s8 =	sor.u32 s25, s5;
	v32 =	vld.idx.msk [tilespmem:v32+s2+$0x0], $0xffff  }
0x188: {  	v63 =	vmov v28;
	s4 =	sor.u32 s30, s9;
	s9 =	sadd.s32 $0x3580, s22;
	[tilespmem:s8+$0x0] =	vst v31;
	v28 =	vld.idx.msk [tilespmem:v55+s2+$0x0], $0xffff  }
0x189: {  	s17 =	sor.u32 s23, s9;
	s9 =	sor.u32 s21, s9;
	v31 =	vadd.s32 $0x4, v18;
	v34 =	vld.idx.msk [tilespmem:v44+s2+$0x0], $0xffff;
	[tilespmem:s1+$0x0] =	vst v25  }
0x18a: {  	s7 =	sor.u32 s26, s5;
	[tilespmem:s9+$0x0] =	vst v33;
	s5 =	sadd.s32 $0x2400, s18;
	v22 =	vld.idx.msk [tilespmem:v22+s2+$0x0], $0xffff  }
0x18b: {  	v8 =	vmovc v41;
	v41 =	vmov v35;
	v35 =	vadd.s32 $0x1A, v61;
	v25 =	vadd.s32 $0x10, v2;
	s1 =	sor.u32 s6, s5;
	[tilespmem:s4+$0x0] =	vst v38;
	v29 =	vld.idx.msk [tilespmem:v29+s2+$0x0], $0xffff  }
0x18c: {  	v44 =	vadd.s32 $0x1C, v1;
	s9 =	sadd.s32 $0x2A00, s28;
	v55 =	vmov v35;
	v35 =	vld.idx.msk [tilespmem:v58+s2+$0x0], $0xffff;
	[tilespmem:s1+$0x0] =	vst v30  }
0x18d: {  	v45 =	vmov v23;
	v23 =	vadd.s32 $0xF, v61;
	s4 =	sor.u32 s29, s9;
	v30 =	vld [tilespmem:$0x1FFC0];
	[tilespmem:s7+$0x0] =	vst v28;
	v28 =	vadd.s32 $0x28, v0  }
0x18e: {  	s8 =	sor.u32 s3, s5;
	s5 =	sadd.s32 $0x3000, s24;
	s1 =	sor.u32 s30, s9;
	v0 =	vmovc v1;
	v1 =	vmov v2;
	v2 =	vmov v18;
	v18 =	vmov v23;
	v23 =	vld.idx.msk [tilespmem:v31+s2+$0x0], $0xffff;
	[tilespmem:s4+$0x0] =	vst v32  }
0x18f: {  	v16 =	vadd.s32 $0x4, v61;
	s9 =	sor.u32 s26, s5;
	s7 =	sor.u32 s25, s5;
	s5 =	sadd.s32 $0x3600, s22;
	[tilespmem:$0x1FFB0] =	vst v18;
	v18 =	vld.idx.msk [tilespmem:v54+s2+$0x0], $0xffff  }
0x190: {  	v27 =	vadd.s32 $0x1B, v61;
	v25 =	vld.idx.msk [tilespmem:v25+s2+$0x0], $0xffff;
	[tilespmem:s7+$0x0] =	vst v34;
	s7 =	sor.u32 s21, s5  }
0x191: {  	v54 =	vmov v27;
	s4 =	sor.u32 s23, s5;
	s5 =	sadd.s32 $0x2480, s18;
	v27 =	vld.idx.msk [tilespmem:v44+s2+$0x0], $0xffff;
	[tilespmem:s7+$0x0] =	vst v29  }
0x192: {  	[tilespmem:s8+$0x0] =	vst v22;
	v22 =	vadd.s32 $0x5, v2;
	s7 =	sor.u32 s6, s5;
	v28 =	vld.idx.msk [tilespmem:v28+s2+$0x0], $0xffff  }
0x193: {  	[tilespmem:s7+$0x0] =	vst v23;
	v23 =	vld [tilespmem:$0x1FD80]  }
0x194: {  	v16 =	vld.idx.msk [tilespmem:v16+s2+$0x0], $0xffff;
	s8 =	sor.u32 s3, s5;
	[tilespmem:s1+$0x0] =	vst v35;
	s5 =	sadd.s32 $0x2A80, s28  }
0x195: {  	v30 =	vld.idx.msk [tilespmem:v30+s2+$0x0], $0xffff;
	[tilespmem:s9+$0x0] =	vst v18;
	s9 =	sor.u32 s30, s5;
	s5 =	sor.u32 s29, s5  }
0x196: {  	[tilespmem:s5+$0x0] =	vst v25  }
0x197: {  	v22 =	vld.idx.msk [tilespmem:v22+s2+$0x0], $0xffff  }
0x198: {  	v26 =	vadd.s32 $0x23, v61;
	v33 =	vmov v47;
	s7 =	sadd.s32 $0x3080, s24;
	v47 =	vmov v23;
	v23 =	vld.idx.msk [tilespmem:v46+s2+$0x0], $0xffff  }
0x199: {  	v15 =	vadd.s32 $0x11, v61;
	s5 =	sor.u32 s26, s7;
	s7 =	sor.u32 s25, s7;
	v46 =	vmov v26;
	v26 =	vld [tilespmem:$0x1FFD0]  }
0x19a: {  	[tilespmem:s7+$0x0] =	vst v27;
	v27 =	vmov v15;
	v15 =	vld [tilespmem:$0x1FD90]  }
0x19b: {  	[tilespmem:$0x1FE40] =	vst v20;
	v20 =	vadd.s32 $0x10, v61;
	v12 =	vadd.s32 $0x5, v61  }
0x19c: {  	[tilespmem:$0x1FFA0] =	vst v63;
	v63 =	vmov v20;
	v20 =	vld.idx.msk [tilespmem:v53+s2+$0x0], $0xffff;
	_ =	sdelay $0x2  }
0x19d: {  	[tilespmem:s8+$0x0] =	vst v16  }
0x19e: {  	v12 =	vld.idx.msk [tilespmem:v12+s2+$0x0], $0xffff;
	[tilespmem:s9+$0x0] =	vst v30  }
0x19f: {  	v26 =	vld.idx.msk [tilespmem:v26+s2+$0x0], $0xffff;
	[tilespmem:s5+$0x0] =	vst v20  }
0x1a0: {  	v19 =	vadd.s32 $0x1D, v61;
	v15 =	vld.idx.msk [tilespmem:v15+s2+$0x0], $0xffff;
	[tilespmem:s13+$0x0] =	vst v23  }
0x1a1: {  	v35 =	vmov v51;
	v51 =	vmov v19;
	v19 =	vld.idx.msk [tilespmem:v7+s2+$0x0], $0xffff  }
0x1a2: {  	v29 =	vadd.s32 $0x11, v1;
	v7 =	vld [tilespmem:$0x1FDB0];
	_ =	sdelay $0x1  }
0x1a3: {  	s22 =	sadd.s32 $0x3680, s22;
	v18 =	vadd.s32 $0x1D, v0  }
0x1a4: {  	s1 =	sor.u32 s23, s22;
	s23 =	smov.u32 s26;
	s7 =	sor.u32 s21, s22  }
0x1a5: {  	[tilespmem:$0x1FEA0] =	vst v24;
	v24 =	vadd.s32 $0x1C, v61;
	s22 =	smov.u32 s24;
	s24 =	smov.u32 s28;
	s28 =	smov.u32 s18  }
0x1a6: {  	v53 =	vmov v24;
	s26 =	smov.u32 s30;
	s30 =	smov.u32 s3;
	v24 =	vld.idx.msk [tilespmem:v29+s2+$0x0], $0xffff;
	[tilespmem:s7+$0x0] =	vst v28;
	s7 =	sadd.s32 $0x2500, s28  }
0x1a7: {  	s21 =	smov.u32 s25;
	s8 =	sadd.s32 $0x2B00, s24;
	s5 =	sor.u32 s30, s7  }
0x1a8: {  	s25 =	smov.u32 s29;
	s29 =	smov.u32 s6;
	v18 =	vld.idx.msk [tilespmem:v18+s2+$0x0], $0xffff;
	s9 =	sor.u32 s26, s8;
	[tilespmem:s5+$0x0] =	vst v12  }
0x1a9: {  	s3 =	sor.u32 s29, s7;
	v7 =	vld.idx.msk [tilespmem:v7+s2+$0x0], $0xffff;
	[tilespmem:s9+$0x0] =	vst v26  }
0x1aa: {  	[tilespmem:s3+$0x0] =	vst v22;
	v22 =	vld.idx.msk [tilespmem:v3+s2+$0x0], $0xffff  }
0x1ab: {  	v3 =	vld [tilespmem:$0x1FDE0]  }
0x1ac: {  	v16 =	vadd.s32 $0x6, v2;
	_ =	sdelay $0x1  }
0x1ad: {  	v4 =	vadd.s32 $0x21, v61  }
0x1ae: {  	[tilespmem:$0x1FF40] =	vst v4;
	v4 =	vadd.s32 $0x22, v61;
	s13 =	sadd.s32 $0x3100, s22  }
0x1af: {  	[tilespmem:$0x1FFC0] =	vst v63;
	v25 =	vadd.s32 $0x12, v1;
	v28 =	vmovc v42;
	v42 =	vmov v56;
	v56 =	vmov v4;
	v4 =	vld [tilespmem:$0x1FE00];
	s18 =	sor.u32 s23, s13  }
0x1b0: {  	v11 =	vadd.s32 $0x12, v61;
	v16 =	vld.idx.msk [tilespmem:v16+s2+$0x0], $0xffff;
	v20 =	vadd.s32 $0x1E, v0;
	[tilespmem:s18+$0x0] =	vst v15  }
0x1b1: {  	v14 =	vadd.s32 $0x1E, v61;
	v63 =	vmov v11;
	v11 =	vld.idx.msk [tilespmem:v52+s2+$0x0], $0xffff;
	[tilespmem:s15+$0x0] =	vst v19  }
0x1b2: {  	v34 =	vmov v50;
	v50 =	vmov v14;
	s6 =	sor.u32 s25, s8;
	v14 =	vld.idx.msk [tilespmem:v3+s2+$0x0], $0xffff  }
0x1b3: {  	v21 =	vadd.s32 $0x24, v61;
	[tilespmem:s6+$0x0] =	vst v24;
	s7 =	sor.u32 s21, s13;
	v3 =	vld [tilespmem:$0x1FDF0]  }
0x1b4: {  	v39 =	vmov v21;
	v21 =	vld.idx.msk [tilespmem:v25+s2+$0x0], $0xffff;
	v12 =	vadd.s32 $0x7, v2;
	[tilespmem:s7+$0x0] =	vst v18  }
0x1b5: {  	v18 =	vld.idx.msk [tilespmem:v20+s2+$0x0], $0xffff;
	v20 =	vadd.s32 $0x13, v1  }
0x1b6: {  	s7 =	sadd.s32 $0x2580, s28  }
0x1b7: {  	s3 =	sor.u32 s29, s7;
	s9 =	sadd.s32 $0x2B80, s24  }
0x1b8: {  	[tilespmem:s3+$0x0] =	vst v16;
	s6 =	sor.u32 s25, s9  }
0x1b9: {  	s8 =	sor.u32 s30, s7;
	v12 =	vld.idx.msk [tilespmem:v12+s2+$0x0], $0xffff;
	[tilespmem:s6+$0x0] =	vst v21  }
0x1ba: {  	s13 =	sor.u32 s26, s9;
	s15 =	sadd.s32 $0x3180, s22;
	v16 =	vld.idx.msk [tilespmem:v20+s2+$0x0], $0xffff;
	[tilespmem:s8+$0x0] =	vst v7  }
0x1bb: {  	s7 =	sor.u32 s21, s15;
	v3 =	vld.idx.msk [tilespmem:v3+s2+$0x0], $0xffff;
	[tilespmem:s13+$0x0] =	vst v22  }
0x1bc: {  	[tilespmem:s7+$0x0] =	vst v18;
	v18 =	vld.idx.msk [tilespmem:v4+s2+$0x0], $0xffff  }
0x1bd: {  	v4 =	vld [tilespmem:$0x1FE10];
	_ =	sdelay $0x4  }
0x1be: {  	v36 =	vmov v48;
	v48 =	vmov v59;
	v59 =	vmov v4;
	v4 =	vld [tilespmem:$0x1FE20];
	_ =	sdelay $0x4  }
0x1bf: {  	s18 =	sor.u32 s23, s15  }
0x1c0: {  	[tilespmem:s18+$0x0] =	vst v11  }
0x1c1: {  	v10 =	vadd.s32 $0x1F, v61;
	v8 =	vld.idx.msk [tilespmem:v8+s2+$0x0], $0xffff;
	[tilespmem:s16+$0x0] =	vst v14  }
0x1c2: {  	v32 =	vmov v49;
	v49 =	vmov v10;
	v10 =	vld.idx.msk [tilespmem:v4+s2+$0x0], $0xffff  }
0x1c3: {  	v4 =	vld [tilespmem:$0x1FE30];
	_ =	sdelay $0x4  }
0x1c4: {  	v25 =	vmov v4;
	v4 =	vld [tilespmem:$0x1FE40];
	_ =	sdelay $0x4  }
0x1c5: {  	v30 =	vmov v4;
	v4 =	vld [tilespmem:$0x1FE50];
	_ =	sdelay $0x4  }
0x1c6: {  	s8 =	sadd.s32 $0x2600, s28  }
0x1c7: {  	s9 =	sor.u32 s30, s8  }
0x1c8: {  	v13 =	vadd.s32 $0x26, v61;
	v15 =	vadd.s32 $0x1F, v0;
	[tilespmem:s9+$0x0] =	vst v3  }
0x1c9: {  	v20 =	vmov v13;
	v13 =	vld.idx.msk [tilespmem:v4+s2+$0x0], $0xffff  }
0x1ca: {  	v4 =	vld [tilespmem:$0x1FE60]  }
0x1cb: {  	v17 =	vadd.s32 $0x25, v61;
	v7 =	vadd.s32 $0x8, v2  }
0x1cc: {  	v37 =	vmov v17;
	v17 =	vadd.s32 $0x14, v1  }
0x1cd: {  	v15 =	vld.idx.msk [tilespmem:v15+s2+$0x0], $0xffff  }
0x1ce: {  	s3 =	sor.u32 s29, s8;
	s13 =	sadd.s32 $0x2C00, s24  }
0x1cf: {  	[tilespmem:s3+$0x0] =	vst v12;
	s6 =	sor.u32 s25, s13  }
0x1d0: {  	v7 =	vld.idx.msk [tilespmem:v7+s2+$0x0], $0xffff;
	s15 =	sor.u32 s26, s13;
	s16 =	sadd.s32 $0x3200, s22;
	[tilespmem:s6+$0x0] =	vst v16  }
0x1d1: {  	s7 =	sor.u32 s21, s16;
	v12 =	vld.idx.msk [tilespmem:v17+s2+$0x0], $0xffff;
	[tilespmem:s15+$0x0] =	vst v18  }
0x1d2: {  	[tilespmem:s7+$0x0] =	vst v15;
	v15 =	vld.idx.msk [tilespmem:v4+s2+$0x0], $0xffff  }
0x1d3: {  	v4 =	vld [tilespmem:$0x1FE70];
	_ =	sdelay $0x4  }
0x1d4: {  	v58 =	vmov v4;
	v4 =	vld [tilespmem:$0x1FE80];
	_ =	sdelay $0x5  }
0x1d5: {  	s18 =	sor.u32 s23, s16  }
0x1d6: {  	[tilespmem:s18+$0x0] =	vst v8  }
0x1d7: {  	v26 =	vmov v5;
	v5 =	vld.idx.msk [tilespmem:v4+s2+$0x0], $0xffff  }
0x1d8: {  	v4 =	vld [tilespmem:$0x1FE90];
	_ =	sdelay $0x4  }
0x1d9: {  	v31 =	vmovc v41;
	v41 =	vmov v43;
	v43 =	vmov v40;
	v40 =	vmov v4;
	v4 =	vld [tilespmem:$0x1FEA0];
	_ =	sdelay $0x6  }
0x1da: {  	[tilespmem:s17+$0x0] =	vst v10  }
0x1db: {  	v16 =	vld.idx.msk [tilespmem:v4+s2+$0x0], $0xffff  }
0x1dc: {  	v4 =	vld [tilespmem:$0x1FEB0];
	_ =	sdelay $0x4  }
0x1dd: {  	v24 =	vmov v4;
	v4 =	vld [tilespmem:$0x1FEC0];
	_ =	sdelay $0x2  }
0x1de: {  	v11 =	vadd.s32 $0x20, v0;
	_ =	sdelay $0x1  }
0x1df: {  	v21 =	vmov v4;
	v4 =	vld [tilespmem:$0x1FED0]  }
0x1e0: {  	v3 =	vadd.s32 $0x9, v2  }
0x1e1: {  	v14 =	vadd.s32 $0x15, v1  }
0x1e2: {  	s8 =	sadd.s32 $0x2680, s28;
	v11 =	vld.idx.msk [tilespmem:v11+s2+$0x0], $0xffff  }
0x1e3: {  	s3 =	sor.u32 s29, s8;
	s13 =	sadd.s32 $0x2C80, s24  }
0x1e4: {  	s6 =	sor.u32 s25, s13;
	[tilespmem:s3+$0x0] =	vst v7  }
0x1e5: {  	s16 =	sadd.s32 $0x3280, s22;
	s9 =	sor.u32 s30, s8;
	v10 =	vld.idx.msk [tilespmem:v3+s2+$0x0], $0xffff;
	[tilespmem:s6+$0x0] =	vst v12  }
0x1e6: {  	s18 =	sor.u32 s21, s16;
	v7 =	vld.idx.msk [tilespmem:v14+s2+$0x0], $0xffff;
	[tilespmem:s9+$0x0] =	vst v13  }
0x1e7: {  	[tilespmem:s18+$0x0] =	vst v11;
	v11 =	vld.idx.msk [tilespmem:v4+s2+$0x0], $0xffff  }
0x1e8: {  	v4 =	vld [tilespmem:$0x1FEF0];
	_ =	sdelay $0x1  }
0x1e9: {  	v8 =	vadd.s32 $0x21, v0;
	_ =	sdelay $0x3  }
0x1ea: {  	s15 =	sor.u32 s26, s13  }
0x1eb: {  	v3 =	vld.idx.msk [tilespmem:v8+s2+$0x0], $0xffff;
	[tilespmem:s15+$0x0] =	vst v15  }
0x1ec: {  	v8 =	vld.idx.msk [tilespmem:v4+s2+$0x0], $0xffff  }
0x1ed: {  	v4 =	vld [tilespmem:$0x1FF00];
	_ =	sdelay $0x4  }
0x1ee: {  	v29 =	vmov v45;
	v45 =	vmov v57;
	v57 =	vmov v4;
	v4 =	vld [tilespmem:$0x1FF10];
	_ =	sdelay $0x5  }
0x1ef: {  	s17 =	sor.u32 s23, s16  }
0x1f0: {  	[tilespmem:s17+$0x0] =	vst v5  }
0x1f1: {  	v5 =	vld.idx.msk [tilespmem:v4+s2+$0x0], $0xffff  }
0x1f2: {  	v4 =	vld [tilespmem:$0x1FF30];
	_ =	sdelay $0x4  }
0x1f3: {  	p0 =	slt.u32 s12, $0x1E;
	v38 =	vmov v4;
	v4 =	vld [tilespmem:$0x1FF40]  }
.Ltmp0:
0x1f4: {  	v44 =	vld [tilespmem:$0x1FF20];
	(pc) =	sbr.rel @p0 .LBB2_2-.Ltmp0, $4  }
0x1f5: {  	v23 =	vld [tilespmem:$0x1FDA0]  }
0x1f6: {  	[tilespmem:$0x1FF90] =	vst v9;
	v9 =	vadd.s32 $0x27, v61;
	v52 =	vld [tilespmem:$0x1FDC0]  }
0x1f7: {  	v6 =	vadd.s32 $0x20, v61;
	v61 =	vadd.s32 $0x28, v61;
	[tilespmem:$0x1FFD0] =	vst v27;
	v19 =	vld [tilespmem:$0x1FDD0];
	v17 =	vmovc v9;
	v9 =	vadd.s32 $0x16, v1;
	s6 =	sadd.s32 $0x2700, s28  }
0x1f8: {  	s31 =	sadd.s32 $0x20, s31;
	s3 =	sadd.s32 $0x2D00, s24;
	v18 =	vmovc v6;
	v6 =	vadd.s32 $0x22, v0;
	v12 =	vadd.s32 $0xA, v2;
	s13 =	sor.u32 s29, s6;
	v15 =	vmovc v61;
	v61 =	vld [tilespmem:$0x1FEE0];
	[tilespmem:s4+$0x0] =	vst v16;
	v13 =	vmov v4  }
0x1f9: {  	[tilespmem:s13+$0x0] =	vst v10;
	s0 =	sor.u32 s30, s6  }
0x1fa: {  	[tilespmem:s0+$0x0] =	vst v11  }
0x1fb: {  	v10 =	vld [tilespmem:$0x1FF60];
	_ =	sdelay $0x6  }
0x1fc: {  	v4 =	vld.idx.msk [tilespmem:v12+s2+$0x0], $0xffff  }
0x1fd: {  	v10 =	vld.idx.msk [tilespmem:v10+s2+$0x0], $0xffff;
	_ =	sdelay $0x1  }
0x1fe: {  	s7 =	sadd.s32 $0x2780, s28  }
0x1ff: {  	s4 =	sor.u32 s29, s7  }
0x200: {  	s0 =	sor.u32 s30, s7;
	[tilespmem:s4+$0x0] =	vst v4  }
0x201: {  	[tilespmem:s0+$0x0] =	vst v10  }
0x202: {  	v10 =	vld [tilespmem:$0x1FF70];
	_ =	sdelay $0x1  }
0x203: {  	v16 =	vadd.s32 $0xB, v2;
	_ =	sdelay $0x4  }
0x204: {  	v4 =	vld.idx.msk [tilespmem:v16+s2+$0x0], $0xffff  }
0x205: {  	v10 =	vld.idx.msk [tilespmem:v10+s2+$0x0], $0xffff;
	_ =	sdelay $0x1  }
0x206: {  	s8 =	sadd.s32 $0x2800, s28  }
0x207: {  	s9 =	sor.u32 s29, s8  }
0x208: {  	s0 =	sor.u32 s30, s8;
	[tilespmem:s9+$0x0] =	vst v4  }
0x209: {  	[tilespmem:s0+$0x0] =	vst v10  }
0x20a: {  	v10 =	vld [tilespmem:$0x1FF80];
	_ =	sdelay $0x1  }
0x20b: {  	v22 =	vadd.s32 $0xC, v2;
	_ =	sdelay $0x4  }
0x20c: {  	v4 =	vld.idx.msk [tilespmem:v22+s2+$0x0], $0xffff  }
0x20d: {  	v10 =	vld.idx.msk [tilespmem:v10+s2+$0x0], $0xffff;
	_ =	sdelay $0x1  }
0x20e: {  	s12 =	sadd.s32 $0x2880, s28  }
0x20f: {  	s13 =	sor.u32 s29, s12  }
0x210: {  	s0 =	sor.u32 s30, s12;
	[tilespmem:s13+$0x0] =	vst v4  }
0x211: {  	[tilespmem:s0+$0x0] =	vst v10  }
0x212: {  	v10 =	vld [tilespmem:$0x1FF90];
	_ =	sdelay $0x1  }
0x213: {  	v27 =	vadd.s32 $0xD, v2;
	_ =	sdelay $0x4  }
0x214: {  	v4 =	vld.idx.msk [tilespmem:v27+s2+$0x0], $0xffff  }
0x215: {  	v10 =	vld.idx.msk [tilespmem:v10+s2+$0x0], $0xffff;
	_ =	sdelay $0x1  }
0x216: {  	s15 =	sadd.s32 $0x2900, s28  }
0x217: {  	s16 =	sor.u32 s29, s15  }
0x218: {  	s0 =	sor.u32 s30, s15;
	[tilespmem:s16+$0x0] =	vst v4  }
0x219: {  	[tilespmem:s0+$0x0] =	vst v10  }
0x21a: {  	v10 =	vld [tilespmem:$0x1FFA0];
	_ =	sdelay $0x1  }
0x21b: {  	v12 =	vadd.s32 $0xE, v2;
	_ =	sdelay $0x4  }
0x21c: {  	v4 =	vld.idx.msk [tilespmem:v12+s2+$0x0], $0xffff  }
0x21d: {  	v10 =	vld.idx.msk [tilespmem:v10+s2+$0x0], $0xffff;
	_ =	sdelay $0x1  }
0x21e: {  	s17 =	sadd.s32 $0x2980, s28  }
0x21f: {  	s18 =	sor.u32 s29, s17  }
0x220: {  	s0 =	sor.u32 s30, s17;
	[tilespmem:s18+$0x0] =	vst v4  }
0x221: {  	[tilespmem:s0+$0x0] =	vst v10  }
0x222: {  	v22 =	vld [tilespmem:$0x1FFB0];
	_ =	sdelay $0x1  }
0x223: {  	v14 =	vadd.s32 $0xF, v2;
	_ =	sdelay $0x4  }
0x224: {  	v4 =	vld.idx.msk [tilespmem:v14+s2+$0x0], $0xffff  }
0x225: {  	v11 =	vld.idx.msk [tilespmem:v22+s2+$0x0], $0xffff;
	_ =	sdelay $0x1  }
0x226: {  	s31 =	sadd.s32 $0x2A00, s28  }
0x227: {  	s5 =	sor.u32 s29, s31  }
0x228: {  	s0 =	sor.u32 s30, s31;
	[tilespmem:s5+$0x0] =	vst v4  }
0x229: {  	[tilespmem:s0+$0x0] =	vst v11  }
0x22a: {  	v11 =	vld [tilespmem:$0x1FFC0];
	_ =	sdelay $0x1  }
0x22b: {  	v16 =	vadd.s32 $0x10, v2;
	_ =	sdelay $0x4  }
0x22c: {  	v4 =	vld.idx.msk [tilespmem:v16+s2+$0x0], $0xffff  }
0x22d: {  	v11 =	vld.idx.msk [tilespmem:v11+s2+$0x0], $0xffff;
	_ =	sdelay $0x1  }
0x22e: {  	s6 =	sadd.s32 $0x2A80, s28  }
0x22f: {  	s7 =	sor.u32 s29, s6  }
0x230: {  	s0 =	sor.u32 s30, s6;
	[tilespmem:s7+$0x0] =	vst v4  }
0x231: {  	[tilespmem:s0+$0x0] =	vst v11  }
0x232: {  	v11 =	vld [tilespmem:$0x1FFD0]  }
0x233: {  	v27 =	vadd.s32 $0x11, v2;
	_ =	sdelay $0x4  }
0x234: {  	v4 =	vld.idx.msk [tilespmem:v27+s2+$0x0], $0xffff  }
0x235: {  	v12 =	vadd.s32 $0x12, v2  }
0x236: {  	v11 =	vld.idx.msk [tilespmem:v11+s2+$0x0], $0xffff  }
0x237: {  	s8 =	sadd.s32 $0x2B00, s28  }
0x238: {  	s9 =	sor.u32 s29, s8  }
0x239: {  	[tilespmem:s9+$0x0] =	vst v4  }
0x23a: {  	s0 =	sor.u32 s30, s8;
	v4 =	vld.idx.msk [tilespmem:v12+s2+$0x0], $0xffff  }
0x23b: {  	v14 =	vadd.s32 $0x13, v2;
	[tilespmem:s0+$0x0] =	vst v11  }
0x23c: {  	v11 =	vld.idx.msk [tilespmem:v63+s2+$0x0], $0xffff  }
0x23d: {  	s12 =	sadd.s32 $0x2B80, s28  }
0x23e: {  	s13 =	sor.u32 s29, s12  }
0x23f: {  	[tilespmem:s13+$0x0] =	vst v4  }
0x240: {  	v4 =	vld.idx.msk [tilespmem:v14+s2+$0x0], $0xffff;
	s0 =	sor.u32 s30, s12  }
0x241: {  	v16 =	vadd.s32 $0x14, v2;
	[tilespmem:s0+$0x0] =	vst v11  }
0x242: {  	v11 =	vld.idx.msk [tilespmem:v59+s2+$0x0], $0xffff  }
0x243: {  	s15 =	sadd.s32 $0x2C00, s28  }
0x244: {  	s16 =	sor.u32 s29, s15  }
0x245: {  	[tilespmem:s16+$0x0] =	vst v4  }
0x246: {  	v4 =	vld.idx.msk [tilespmem:v16+s2+$0x0], $0xffff;
	s0 =	sor.u32 s30, s15  }
0x247: {  	v22 =	vadd.s32 $0x15, v2;
	[tilespmem:s0+$0x0] =	vst v11  }
0x248: {  	v11 =	vld.idx.msk [tilespmem:v58+s2+$0x0], $0xffff  }
0x249: {  	s17 =	sadd.s32 $0x2C80, s28  }
0x24a: {  	s18 =	sor.u32 s29, s17  }
0x24b: {  	[tilespmem:s18+$0x0] =	vst v4  }
0x24c: {  	v4 =	vld.idx.msk [tilespmem:v22+s2+$0x0], $0xffff;
	s0 =	sor.u32 s30, s17  }
0x24d: {  	v27 =	vadd.s32 $0x16, v2;
	[tilespmem:s0+$0x0] =	vst v11  }
0x24e: {  	v11 =	vld.idx.msk [tilespmem:v57+s2+$0x0], $0xffff  }
0x24f: {  	s31 =	sor.u32 s25, s3;
	s5 =	sadd.s32 $0x2D00, s28  }
0x250: {  	s6 =	sor.u32 s29, s5;
	[tilespmem:s31+$0x0] =	vst v7  }
0x251: {  	s4 =	sor.u32 s26, s3;
	v7 =	vld.idx.msk [tilespmem:v9+s2+$0x0], $0xffff;
	[tilespmem:s6+$0x0] =	vst v4  }
0x252: {  	s7 =	sor.u32 s30, s5;
	[tilespmem:s4+$0x0] =	vst v8;
	v58 =	vld.idx.msk [tilespmem:v27+s2+$0x0], $0xffff  }
0x253: {  	v8 =	vld.idx.msk [tilespmem:v52+s2+$0x0], $0xffff;
	[tilespmem:s7+$0x0] =	vst v11  }
0x254: {  	s8 =	sadd.s32 $0x2D80, s24;
	v11 =	vld.idx.msk [tilespmem:v61+s2+$0x0], $0xffff  }
0x255: {  	s9 =	sor.u32 s25, s8;
	s12 =	sadd.s32 $0x2D80, s28  }
0x256: {  	[tilespmem:s9+$0x0] =	vst v7;
	s13 =	sor.u32 s29, s12  }
0x257: {  	s0 =	sor.u32 s26, s8;
	[tilespmem:s13+$0x0] =	vst v58  }
0x258: {  	s15 =	sor.u32 s30, s12;
	[tilespmem:s0+$0x0] =	vst v8  }
0x259: {  	[tilespmem:s15+$0x0] =	vst v11  }
0x25a: {  	v57 =	vadd.s32 $0x17, v1;
	v11 =	vld [tilespmem:$0x1FFE0];
	_ =	sdelay $0x1  }
0x25b: {  	v59 =	vadd.s32 $0x17, v2;
	_ =	sdelay $0x2  }
0x25c: {  	v4 =	vld.idx.msk [tilespmem:v57+s2+$0x0], $0xffff  }
0x25d: {  	v8 =	vld.idx.msk [tilespmem:v44+s2+$0x0], $0xffff;
	v61 =	vadd.s32 $0x18, v1  }
0x25e: {  	v9 =	vld.idx.msk [tilespmem:v59+s2+$0x0], $0xffff  }
0x25f: {  	s16 =	sadd.s32 $0x2E00, s24;
	v63 =	vadd.s32 $0x18, v2;
	v11 =	vld.idx.msk [tilespmem:v11+s2+$0x0], $0xffff  }
0x260: {  	s17 =	sor.u32 s25, s16  }
0x261: {  	s18 =	sadd.s32 $0x2E00, s28;
	s0 =	sor.u32 s26, s16;
	[tilespmem:s17+$0x0] =	vst v4  }
0x262: {  	s31 =	sor.u32 s29, s18;
	[tilespmem:s0+$0x0] =	vst v8;
	v4 =	vld.idx.msk [tilespmem:v61+s2+$0x0], $0xffff  }
0x263: {  	s3 =	sor.u32 s30, s18;
	[tilespmem:s31+$0x0] =	vst v9;
	v8 =	vld.idx.msk [tilespmem:v43+s2+$0x0], $0xffff  }
0x264: {  	v9 =	vld.idx.msk [tilespmem:v63+s2+$0x0], $0xffff;
	[tilespmem:s3+$0x0] =	vst v11  }
0x265: {  	s4 =	sadd.s32 $0x2E80, s24;
	v11 =	vld.idx.msk [tilespmem:v60+s2+$0x0], $0xffff  }
0x266: {  	s5 =	sor.u32 s25, s4  }
0x267: {  	s6 =	sadd.s32 $0x2E80, s28;
	s0 =	sor.u32 s26, s4;
	[tilespmem:s5+$0x0] =	vst v4  }
0x268: {  	s7 =	sor.u32 s29, s6;
	[tilespmem:s0+$0x0] =	vst v8  }
0x269: {  	s8 =	sor.u32 s30, s6;
	[tilespmem:s7+$0x0] =	vst v9  }
0x26a: {  	v8 =	vld [tilespmem:$0x1FF50];
	[tilespmem:s8+$0x0] =	vst v11  }
0x26b: {  	v12 =	vadd.s32 $0x19, v1;
	v11 =	vld [tilespmem:$0x1FFF0]  }
0x26c: {  	v14 =	vadd.s32 $0x19, v2;
	_ =	sdelay $0x3  }
0x26d: {  	v4 =	vld.idx.msk [tilespmem:v12+s2+$0x0], $0xffff  }
0x26e: {  	v16 =	vadd.s32 $0x1A, v1;
	v9 =	vld.idx.msk [tilespmem:v14+s2+$0x0], $0xffff  }
0x26f: {  	v22 =	vadd.s32 $0x1A, v2;
	v8 =	vld.idx.msk [tilespmem:v8+s2+$0x0], $0xffff  }
0x270: {  	s9 =	sadd.s32 $0x2F00, s24;
	v11 =	vld.idx.msk [tilespmem:v11+s2+$0x0], $0xffff  }
0x271: {  	s12 =	sor.u32 s25, s9;
	s13 =	sadd.s32 $0x2F00, s28  }
0x272: {  	s15 =	sor.u32 s29, s13;
	[tilespmem:s12+$0x0] =	vst v4  }
0x273: {  	s0 =	sor.u32 s26, s9;
	[tilespmem:s15+$0x0] =	vst v9;
	v4 =	vld.idx.msk [tilespmem:v16+s2+$0x0], $0xffff  }
0x274: {  	v27 =	vadd.s32 $0x1B, v1;
	s16 =	sor.u32 s30, s13;
	v9 =	vld.idx.msk [tilespmem:v22+s2+$0x0], $0xffff;
	[tilespmem:s0+$0x0] =	vst v8  }
0x275: {  	v43 =	vadd.s32 $0x1B, v2;
	v8 =	vld.idx.msk [tilespmem:v62+s2+$0x0], $0xffff;
	[tilespmem:s16+$0x0] =	vst v11  }
0x276: {  	s17 =	sadd.s32 $0x2F80, s24;
	v11 =	vld.idx.msk [tilespmem:v55+s2+$0x0], $0xffff  }
0x277: {  	s31 =	sadd.s32 $0x2F80, s28;
	s18 =	sor.u32 s25, s17  }
0x278: {  	s4 =	sor.u32 s29, s31;
	[tilespmem:s18+$0x0] =	vst v4  }
0x279: {  	[tilespmem:s4+$0x0] =	vst v9;
	s0 =	sor.u32 s26, s17;
	v4 =	vld.idx.msk [tilespmem:v27+s2+$0x0], $0xffff  }
0x27a: {  	v44 =	vadd.s32 $0x1C, v1;
	s5 =	sor.u32 s30, s31;
	v9 =	vld.idx.msk [tilespmem:v43+s2+$0x0], $0xffff;
	[tilespmem:s0+$0x0] =	vst v8  }
0x27b: {  	v8 =	vld.idx.msk [tilespmem:v48+s2+$0x0], $0xffff;
	v48 =	vadd.s32 $0x1C, v2;
	[tilespmem:s5+$0x0] =	vst v11  }
0x27c: {  	s6 =	sadd.s32 $0x3000, s24;
	v11 =	vld.idx.msk [tilespmem:v54+s2+$0x0], $0xffff  }
0x27d: {  	s7 =	sor.u32 s25, s6;
	s8 =	sadd.s32 $0x3000, s28  }
0x27e: {  	s9 =	sor.u32 s29, s8;
	[tilespmem:s7+$0x0] =	vst v4  }
0x27f: {  	[tilespmem:s9+$0x0] =	vst v9;
	s0 =	sor.u32 s26, s6;
	v4 =	vld.idx.msk [tilespmem:v44+s2+$0x0], $0xffff  }
0x280: {  	v52 =	vadd.s32 $0x1D, v1;
	s12 =	sor.u32 s30, s8;
	[tilespmem:s0+$0x0] =	vst v8;
	v9 =	vld.idx.msk [tilespmem:v48+s2+$0x0], $0xffff  }
0x281: {  	v8 =	vld.idx.msk [tilespmem:v47+s2+$0x0], $0xffff;
	v54 =	vadd.s32 $0x1D, v2;
	[tilespmem:s12+$0x0] =	vst v11  }
0x282: {  	s13 =	sadd.s32 $0x3080, s24;
	v11 =	vld.idx.msk [tilespmem:v53+s2+$0x0], $0xffff  }
0x283: {  	s15 =	sor.u32 s25, s13;
	s16 =	sadd.s32 $0x3080, s28  }
0x284: {  	s17 =	sor.u32 s29, s16;
	[tilespmem:s15+$0x0] =	vst v4  }
0x285: {  	s0 =	sor.u32 s26, s13;
	v4 =	vld.idx.msk [tilespmem:v52+s2+$0x0], $0xffff;
	[tilespmem:s17+$0x0] =	vst v9  }
0x286: {  	v55 =	vadd.s32 $0x1E, v1;
	s18 =	sor.u32 s30, s16;
	[tilespmem:s0+$0x0] =	vst v8;
	v9 =	vld.idx.msk [tilespmem:v54+s2+$0x0], $0xffff  }
0x287: {  	v57 =	vadd.s32 $0x1E, v2;
	v8 =	vld.idx.msk [tilespmem:v45+s2+$0x0], $0xffff;
	[tilespmem:s18+$0x0] =	vst v11  }
0x288: {  	s31 =	sadd.s32 $0x3100, s24;
	v11 =	vld.idx.msk [tilespmem:v51+s2+$0x0], $0xffff  }
0x289: {  	s4 =	sor.u32 s25, s31;
	s5 =	sadd.s32 $0x3100, s28  }
0x28a: {  	s6 =	sor.u32 s29, s5;
	[tilespmem:s4+$0x0] =	vst v4  }
0x28b: {  	s0 =	sor.u32 s26, s31;
	v4 =	vld.idx.msk [tilespmem:v55+s2+$0x0], $0xffff;
	[tilespmem:s6+$0x0] =	vst v9  }
0x28c: {  	v58 =	vadd.s32 $0x1F, v1;
	s7 =	sor.u32 s30, s5;
	[tilespmem:s0+$0x0] =	vst v8;
	v9 =	vld.idx.msk [tilespmem:v57+s2+$0x0], $0xffff  }
0x28d: {  	v59 =	vadd.s32 $0x1F, v2;
	v8 =	vld.idx.msk [tilespmem:v42+s2+$0x0], $0xffff;
	[tilespmem:s7+$0x0] =	vst v11  }
0x28e: {  	s8 =	sadd.s32 $0x3180, s24;
	v11 =	vld.idx.msk [tilespmem:v50+s2+$0x0], $0xffff  }
0x28f: {  	s9 =	sor.u32 s25, s8;
	s12 =	sadd.s32 $0x3180, s28  }
0x290: {  	s13 =	sor.u32 s29, s12;
	[tilespmem:s9+$0x0] =	vst v4  }
0x291: {  	s0 =	sor.u32 s26, s8;
	v4 =	vld.idx.msk [tilespmem:v58+s2+$0x0], $0xffff;
	[tilespmem:s13+$0x0] =	vst v9  }
0x292: {  	v60 =	vadd.s32 $0x20, v1;
	s15 =	sor.u32 s30, s12;
	[tilespmem:s0+$0x0] =	vst v8;
	v9 =	vld.idx.msk [tilespmem:v59+s2+$0x0], $0xffff  }
0x293: {  	v61 =	vadd.s32 $0x20, v2;
	v8 =	vld.idx.msk [tilespmem:v41+s2+$0x0], $0xffff;
	[tilespmem:s15+$0x0] =	vst v11  }
0x294: {  	s16 =	sadd.s32 $0x3200, s24;
	v11 =	vld.idx.msk [tilespmem:v49+s2+$0x0], $0xffff  }
0x295: {  	s17 =	sor.u32 s25, s16;
	s18 =	sadd.s32 $0x3200, s28  }
0x296: {  	s31 =	sor.u32 s29, s18;
	[tilespmem:s17+$0x0] =	vst v4  }
0x297: {  	s0 =	sor.u32 s26, s16;
	v4 =	vld.idx.msk [tilespmem:v60+s2+$0x0], $0xffff;
	[tilespmem:s31+$0x0] =	vst v9  }
0x298: {  	v62 =	vadd.s32 $0x21, v1;
	s4 =	sor.u32 s30, s18;
	[tilespmem:s0+$0x0] =	vst v8;
	v9 =	vld.idx.msk [tilespmem:v61+s2+$0x0], $0xffff  }
0x299: {  	v63 =	vadd.s32 $0x21, v2;
	s5 =	sadd.s32 $0x3300, s22;
	v8 =	vld.idx.msk [tilespmem:v40+s2+$0x0], $0xffff;
	[tilespmem:s4+$0x0] =	vst v11  }
0x29a: {  	s6 =	sor.u32 s21, s5;
	s7 =	sadd.s32 $0x3280, s24;
	v11 =	vld.idx.msk [tilespmem:v18+s2+$0x0], $0xffff  }
0x29b: {  	s12 =	sadd.s32 $0x3280, s28;
	[tilespmem:s6+$0x0] =	vst v3;
	s8 =	sor.u32 s25, s7  }
0x29c: {  	v3 =	vld.idx.msk [tilespmem:v6+s2+$0x0], $0xffff;
	s13 =	sor.u32 s29, s12;
	[tilespmem:s8+$0x0] =	vst v4  }
0x29d: {  	s9 =	sor.u32 s26, s7;
	v14 =	vld.idx.msk [tilespmem:v62+s2+$0x0], $0xffff;
	[tilespmem:s13+$0x0] =	vst v9  }
0x29e: {  	v16 =	vadd.s32 $0x22, v1;
	s15 =	sor.u32 s30, s12;
	[tilespmem:s9+$0x0] =	vst v8;
	v9 =	vld.idx.msk [tilespmem:v63+s2+$0x0], $0xffff  }
0x29f: {  	s17 =	sadd.s32 $0x3380, s22;
	s16 =	sor.u32 s23, s5;
	v8 =	vld.idx.msk [tilespmem:v38+s2+$0x0], $0xffff;
	v18 =	vadd.s32 $0x22, v2;
	[tilespmem:s15+$0x0] =	vst v11  }
0x2a0: {  	s18 =	sor.u32 s21, s17;
	[tilespmem:s16+$0x0] =	vst v5;
	s31 =	sadd.s32 $0x3300, s24;
	v22 =	vld.idx.msk [tilespmem:v13+s2+$0x0], $0xffff  }
0x2a1: {  	[tilespmem:s18+$0x0] =	vst v3;
	s7 =	sadd.s32 $0x3300, s28;
	v41 =	vld.idx.msk [tilespmem:v29+s2+$0x0], $0xffff;
	s5 =	sor.u32 s25, s31  }
0x2a2: {  	v12 =	vadd.s32 $0x23, v0;
	v27 =	vld.idx.msk [tilespmem:v33+s2+$0x0], $0xffff;
	s8 =	sor.u32 s29, s7;
	[tilespmem:s5+$0x0] =	vst v14  }
0x2a3: {  	s6 =	sor.u32 s26, s31;
	v6 =	vld.idx.msk [tilespmem:v16+s2+$0x0], $0xffff;
	[tilespmem:s8+$0x0] =	vst v9  }
0x2a4: {  	v33 =	vadd.s32 $0x23, v1;
	s9 =	sor.u32 s30, s7;
	[tilespmem:s6+$0x0] =	vst v8;
	v5 =	vld.idx.msk [tilespmem:v18+s2+$0x0], $0xffff  }
0x2a5: {  	v38 =	vadd.s32 $0x23, v2;
	v8 =	vld.idx.msk [tilespmem:v36+s2+$0x0], $0xffff;
	[tilespmem:s9+$0x0] =	vst v22  }
0x2a6: {  	s16 =	sadd.s32 $0x3380, s24;
	s12 =	sor.u32 s23, s17;
	[tilespmem:s1+$0x0] =	vst v41;
	v40 =	vld.idx.msk [tilespmem:v56+s2+$0x0], $0xffff  }
0x2a7: {  	v4 =	vld.idx.msk [tilespmem:v12+s2+$0x0], $0xffff;
	s17 =	sor.u32 s25, s16;
	s31 =	sadd.s32 $0x3380, s28;
	[tilespmem:s12+$0x0] =	vst v27  }
0x2a8: {  	v42 =	vadd.s32 $0x24, v0;
	v43 =	vld.idx.msk [tilespmem:v31+s2+$0x0], $0xffff;
	s5 =	sor.u32 s29, s31;
	[tilespmem:s17+$0x0] =	vst v6  }
0x2a9: {  	s18 =	sor.u32 s26, s16;
	v7 =	vld.idx.msk [tilespmem:v33+s2+$0x0], $0xffff;
	[tilespmem:s5+$0x0] =	vst v5  }
0x2aa: {  	v44 =	vadd.s32 $0x24, v1;
	s13 =	sadd.s32 $0x3400, s22;
	s6 =	sor.u32 s30, s31;
	[tilespmem:s18+$0x0] =	vst v8;
	v3 =	vld.idx.msk [tilespmem:v38+s2+$0x0], $0xffff  }
0x2ab: {  	v45 =	vadd.s32 $0x24, v2;
	s15 =	sor.u32 s21, s13;
	v8 =	vld.idx.msk [tilespmem:v35+s2+$0x0], $0xffff;
	[tilespmem:s6+$0x0] =	vst v40  }
0x2ac: {  	s7 =	sor.u32 s23, s13;
	s8 =	sadd.s32 $0x3400, s24;
	[tilespmem:s15+$0x0] =	vst v4;
	v9 =	vld.idx.msk [tilespmem:v46+s2+$0x0], $0xffff  }
0x2ad: {  	[tilespmem:s7+$0x0] =	vst v43;
	s13 =	sadd.s32 $0x3400, s28;
	v6 =	vld.idx.msk [tilespmem:v42+s2+$0x0], $0xffff;
	s9 =	sor.u32 s25, s8  }
0x2ae: {  	v47 =	vadd.s32 $0x25, v0;
	v10 =	vld.idx.msk [tilespmem:v28+s2+$0x0], $0xffff;
	s15 =	sor.u32 s29, s13;
	[tilespmem:s9+$0x0] =	vst v7  }
0x2af: {  	s12 =	sor.u32 s26, s8;
	v5 =	vld.idx.msk [tilespmem:v44+s2+$0x0], $0xffff;
	[tilespmem:s15+$0x0] =	vst v3  }
0x2b0: {  	v48 =	vadd.s32 $0x25, v1;
	s16 =	sadd.s32 $0x3480, s22;
	s1 =	sor.u32 s30, s13;
	[tilespmem:s12+$0x0] =	vst v8;
	v4 =	vld.idx.msk [tilespmem:v45+s2+$0x0], $0xffff  }
0x2b1: {  	v49 =	vadd.s32 $0x25, v2;
	s17 =	sor.u32 s21, s16;
	v8 =	vld.idx.msk [tilespmem:v34+s2+$0x0], $0xffff;
	[tilespmem:s1+$0x0] =	vst v9  }
0x2b2: {  	s0 =	sor.u32 s23, s16;
	s18 =	sadd.s32 $0x3480, s24;
	[tilespmem:s17+$0x0] =	vst v6;
	v9 =	vld.idx.msk [tilespmem:v39+s2+$0x0], $0xffff  }
0x2b3: {  	s4 =	sadd.s32 $0x3480, s28;
	[tilespmem:s0+$0x0] =	vst v10;
	s31 =	sor.u32 s25, s18;
	v7 =	vld.idx.msk [tilespmem:v47+s2+$0x0], $0xffff  }
0x2b4: {  	v50 =	vadd.s32 $0x26, v0;
	v10 =	vld.idx.msk [tilespmem:v26+s2+$0x0], $0xffff;
	s5 =	sor.u32 s29, s4;
	[tilespmem:s31+$0x0] =	vst v5  }
0x2b5: {  	s3 =	sor.u32 s26, s18;
	v3 =	vld.idx.msk [tilespmem:v48+s2+$0x0], $0xffff;
	[tilespmem:s5+$0x0] =	vst v4  }
0x2b6: {  	v51 =	vadd.s32 $0x26, v1;
	s6 =	sadd.s32 $0x3500, s22;
	[tilespmem:s3+$0x0] =	vst v8;
	s1 =	sor.u32 s30, s4;
	v6 =	vld.idx.msk [tilespmem:v49+s2+$0x0], $0xffff  }
0x2b7: {  	v52 =	vadd.s32 $0x26, v2;
	s7 =	sor.u32 s21, s6;
	v8 =	vld.idx.msk [tilespmem:v32+s2+$0x0], $0xffff;
	[tilespmem:s1+$0x0] =	vst v9  }
0x2b8: {  	s8 =	sadd.s32 $0x3500, s24;
	s0 =	sor.u32 s23, s6;
	[tilespmem:s7+$0x0] =	vst v7;
	v9 =	vld.idx.msk [tilespmem:v37+s2+$0x0], $0xffff  }
0x2b9: {  	s13 =	sadd.s32 $0x3500, s28;
	s9 =	sor.u32 s25, s8;
	[tilespmem:s0+$0x0] =	vst v10;
	v5 =	vld.idx.msk [tilespmem:v50+s2+$0x0], $0xffff  }
0x2ba: {  	v53 =	vadd.s32 $0x27, v0;
	s15 =	sor.u32 s29, s13;
	v10 =	vld.idx.msk [tilespmem:v25+s2+$0x0], $0xffff;
	[tilespmem:s9+$0x0] =	vst v3  }
0x2bb: {  	s12 =	sor.u32 s26, s8;
	v4 =	vld.idx.msk [tilespmem:v51+s2+$0x0], $0xffff;
	[tilespmem:s15+$0x0] =	vst v6  }
0x2bc: {  	v54 =	vadd.s32 $0x27, v1;
	s16 =	sadd.s32 $0x3580, s22;
	[tilespmem:s12+$0x0] =	vst v8;
	s1 =	sor.u32 s30, s13;
	v7 =	vld.idx.msk [tilespmem:v52+s2+$0x0], $0xffff  }
0x2bd: {  	v55 =	vadd.s32 $0x27, v2;
	s17 =	sor.u32 s21, s16;
	v8 =	vld.idx.msk [tilespmem:v30+s2+$0x0], $0xffff;
	[tilespmem:s1+$0x0] =	vst v9  }
0x2be: {  	s18 =	sadd.s32 $0x3580, s24;
	s0 =	sor.u32 s23, s16;
	[tilespmem:s17+$0x0] =	vst v5;
	v9 =	vld.idx.msk [tilespmem:v20+s2+$0x0], $0xffff  }
0x2bf: {  	s31 =	sor.u32 s25, s18;
	s3 =	sadd.s32 $0x3580, s28;
	[tilespmem:s0+$0x0] =	vst v10;
	v3 =	vld.idx.msk [tilespmem:v53+s2+$0x0], $0xffff  }
0x2c0: {  	v56 =	vadd.s32 $0x28, v0;
	s4 =	sor.u32 s29, s3;
	v57 =	vld.idx.msk [tilespmem:v24+s2+$0x0], $0xffff;
	[tilespmem:s31+$0x0] =	vst v4  }
0x2c1: {  	v6 =	vld.idx.msk [tilespmem:v54+s2+$0x0], $0xffff;
	[tilespmem:s4+$0x0] =	vst v7;
	s1 =	sor.u32 s26, s18  }
0x2c2: {  	v58 =	vadd.s32 $0x28, v1;
	s5 =	sadd.s32 $0x3600, s22;
	v5 =	vld.idx.msk [tilespmem:v55+s2+$0x0], $0xffff;
	[tilespmem:s1+$0x0] =	vst v8;
	s1 =	sor.u32 s30, s3  }
0x2c3: {  	v60 =	vadd.s32 $0x28, v2;
	s6 =	sor.u32 s21, s5;
	v59 =	vld.idx.msk [tilespmem:v21+s2+$0x0], $0xffff;
	[tilespmem:s1+$0x0] =	vst v9  }
0x2c4: {  	s7 =	sadd.s32 $0x3600, s24;
	s0 =	sor.u32 s23, s5;
	[tilespmem:s6+$0x0] =	vst v3;
	v61 =	vld.idx.msk [tilespmem:v17+s2+$0x0], $0xffff  }
0x2c5: {  	s8 =	sor.u32 s25, s7;
	s12 =	sadd.s32 $0x3600, s28;
	[tilespmem:s0+$0x0] =	vst v57;
	v0 =	vld.idx.msk [tilespmem:v56+s2+$0x0], $0xffff  }
0x2c6: {  	s13 =	sor.u32 s29, s12;
	v4 =	vld.idx.msk [tilespmem:v23+s2+$0x0], $0xffff;
	[tilespmem:s8+$0x0] =	vst v6  }
0x2c7: {  	s9 =	sor.u32 s26, s7;
	v1 =	vld.idx.msk [tilespmem:v58+s2+$0x0], $0xffff;
	[tilespmem:s13+$0x0] =	vst v5  }
0x2c8: {  	s15 =	sadd.s32 $0x3680, s22;
	s1 =	sor.u32 s30, s12;
	v2 =	vld.idx.msk [tilespmem:v60+s2+$0x0], $0xffff;
	[tilespmem:s9+$0x0] =	vst v59  }
0x2c9: {  	s16 =	sor.u32 s21, s15;
	v62 =	vld.idx.msk [tilespmem:v19+s2+$0x0], $0xffff;
	[tilespmem:s1+$0x0] =	vst v61  }
0x2ca: {  	s17 =	sadd.s32 $0x3680, s24;
	s0 =	sor.u32 s23, s15;
	[tilespmem:s16+$0x0] =	vst v0;
	v63 =	vld.idx.msk [tilespmem:v15+s2+$0x0], $0xffff  }
0x2cb: {  	s21 =	sadd.s32 $0x3680, s28;
	s18 =	sor.u32 s25, s17;
	[tilespmem:s0+$0x0] =	vst v4  }
0x2cc: {  	s22 =	sor.u32 s29, s21;
	[tilespmem:s18+$0x0] =	vst v1  }
0x2cd: {  	[tilespmem:s22+$0x0] =	vst v2;
	s1 =	sor.u32 s26, s17  }
0x2ce: {  	s0 =	sor.u32 s30, s21;
	[tilespmem:s1+$0x0] =	vst v62  }
0x2cf: {  	[tilespmem:s0+$0x0] =	vst v63  }
0x2d0: {  	s23 =	simm.s32 $0x2280;
	s0 =	rddreg [dreg:$0x6]  }
0x2d1: {  	[hbm4b:s0+s11] =	stream.strided.scatter [tilespmem:s23], [sflag:$0x1], $0x1480, s14, s11, $0x38;
	[tilespmem:$0x7480] =	vst v63  }
0x2d2: {  	s25 =	simm.s32 $0x3700;
	s24 =	rddreg [dreg:$0x7]  }
0x2d3: {  	[hbm4b:s24+s11] =	stream.strided.scatter [tilespmem:s25], [sflag:$0x1], $0x1480, s14, s11, $0x38;
	[tilespmem:$0x7480] =	vst v63  }
0x2d4: {  	s28 =	simm.s32 $0x4B80;
	s26 =	rddreg [dreg:$0x8]  }
0x2d5: {  	[hbm4b:s26+s11] =	stream.strided.scatter [tilespmem:s28], [sflag:$0x1], $0x1480, s14, s11, $0x38;
	[tilespmem:$0x7480] =	vst v63  }
0x2d6: {  	s30 =	simm.s32 $0x6000;
	s29 =	rddreg [dreg:$0x9]  }
0x2d7: {  	[hbm4b:s29+s11] =	stream.strided.scatter [tilespmem:s30], [sflag:$0x1], $0x1480, s14, s11, $0x38;
	[tilespmem:$0x7480] =	vst v63  }
0x2d8: {  	_ =	swait.ge [sflag:s19], $0x1480  }
0x2d9: {  	[sflag:s19] =	ssyncset.done $0x0  }
0x2da: {  	[sflag:s19] =	ssyncadd.s32 $0xFFFFEB80  }
0x2db: {  	_ =	swait.ge [sflag:s19], $0x1480  }
0x2dc: {  	[sflag:s19] =	ssyncset.done $0x0  }
0x2dd: {  	[sflag:s19] =	ssyncadd.s32 $0xFFFFEB80  }
0x2de: {  	_ =	swait.ge [sflag:s19], $0x1480  }
0x2df: {  	[sflag:s19] =	ssyncset.done $0x0  }
0x2e0: {  	[sflag:s19] =	ssyncadd.s32 $0xFFFFEB80  }
0x2e1: {  	_ =	swait.ge [sflag:s19], $0x1480  }
0x2e2: {  	s20 =	sadd.s32 $0x1, s20;
	s31 =	rddreg [dreg:$0xa]  }
0x2e3: {  	p0 =	sne.s32 s20, s31  }
.Ltmp1:
0x2e4: {  	_ = 	snop;
	(pc) =	sbr.rel @p0 .LBB2_1-.Ltmp1, $3  }
0x2e5: {  	_ =	sdelay $0x1  }
0x2e6: {  	[sflag:s19] =	ssyncset.done $0x0  }
0x2e7: {  	[sflag:s19] =	ssyncadd.s32 $0xFFFFEB80  }
0x2e8: {  	_ =	sfence.sel $0x180000  }
0x2e9: {  	[bflag:$0x0] =	sbarrier.arrive $0xFFFF  }
0x2ea: {  	_ =	strace $0x90000047  }
0x2eb: {  	s0 =	stileid.u32;
	[bflag:$0x2] =	sbarrier.arrive $0xFFFF  }
0x2ec: {  	p0 =	sne.s32 s0, $0x0;
	s0 =	rddreg [dreg:$0x3]  }
0x2ed: {  	s0 =	sadd.s32 @!p0 $0x100000, s0  }
0x2ee: {  	[sflag:s0] =	ssyncadd.tile.s32 @!p0 $0x1;
	_ =	shalt  }
.Lfunc_end2:
_tile_overlayer_lowered:
.L_overlay_start_2:
0x2ef: {  	(tag) =	ssettag $0x2  }
0x2f0: {  	s0 =	rddreg [dreg:$0x0];
	s2 =	stileid.u32  }
0x2f1: {  	s1 =	rddreg [dreg:$0x1];
	p0 =	sne.s32 s2, $0x0  }
0x2f2: {  	s3 =	rddreg [dreg:$0x2];
	[bflag:$0x3] =	sbarrier.arrive $0xFFFF;
	s2 =	simm.s32 @!p0 $0x1C02  }
0x2f3: {  	[timem:s3], [sflag:s2] =	dma.local @!p0 [hbm:s0], s1  }
0x2f4: {  	s0 =	simm.s32 @!p0 $0x2  }
0x2f5: {  	_ =	swait.ge @!p0 [sflag:s0], s1  }
0x2f6: {  	s1 =	ssub.s32 @!p0 $0x0, s1;
	[sflag:s0] =	ssyncset.done @!p0 $0x0  }
0x2f7: {  	[sflag:s0] =	ssyncadd.s32 @!p0 s1  }
0x2f8: {  	[bflag:$0x3] =	sbarrier.arrive $0xFFFF  }
0x2f9: {  	_ =	shalt  }

</sc_bundles>
